<compile_context>
chip_gen: v7x
topology: tpu7x:2x2x1
jax: 0.10.2.dev20260603
libtpu: 0.0.44.dev20260713+nightly
codegen_flags: <defaults>
</compile_context>

<pallas_src>
import functools

import jax
import jax.numpy as jnp
from jax import lax
from jax.experimental import pallas as pl
from jax.experimental.pallas import tpu as pltpu
from jax.experimental.pallas import tpu_sc as plsc

DIM = 1024
E = 8
HID = 2048
N = 2048
EP = 128
T = 128
G = 24
ROWS = G * T

NC = 2
NS = 16
NW = NC * NS
L = 16


def _gate_body(x_ref, w_ref, b_ref, idx_ref, val_ref, rank_ref, cnt_ref,
               carry_ref):
    g = pl.program_id(0)
    s = jnp.dot(x_ref[...], w_ref[...], preferred_element_type=jnp.float32)
    s = s + b_ref[...]
    m = jnp.max(s, axis=-1, keepdims=True)
    lane = lax.broadcasted_iota(jnp.int32, s.shape, 1)
    cand = jnp.where(s >= m, lane, EP)
    idxv = jnp.min(cand, axis=-1, keepdims=True)
    idx_ref[...] = idxv
    val_ref[...] = m

    @pl.when(g == 0)
    def _():
        carry_ref[...] = jnp.zeros_like(carry_ref)

    ohf = (lane == idxv).astype(jnp.float32)
    bt = ohf.shape[0]
    ri = lax.broadcasted_iota(jnp.int32, (bt, bt), 0)
    cj = lax.broadcasted_iota(jnp.int32, (bt, bt), 1)
    tri = (cj < ri).astype(jnp.float32)
    cum_excl = jnp.dot(tri, ohf, preferred_element_type=jnp.float32)
    carry = carry_ref[...]
    rank_ref[...] = jnp.sum(ohf * (cum_excl + carry), axis=-1,
                            keepdims=True).astype(jnp.int32)
    total = carry + jnp.sum(ohf, axis=0, keepdims=True)
    carry_ref[...] = total
    cnt_ref[...] = total.astype(jnp.int32)


def _gate(x2, gate_W, gate_b):
    wp = jnp.zeros((DIM, EP), jnp.float32).at[:, :E].set(gate_W)
    bp = jnp.full((1, EP), -1e30, jnp.float32).at[0, :E].set(gate_b)
    bt = 256
    idx, val, rank, cnt = pl.pallas_call(
        _gate_body,
        grid=(N // bt,),
        in_specs=[
            pl.BlockSpec((bt, DIM), lambda g: (g, 0)),
            pl.BlockSpec((DIM, EP), lambda g: (0, 0)),
            pl.BlockSpec((1, EP), lambda g: (0, 0)),
        ],
        out_specs=[
            pl.BlockSpec((bt, 1), lambda g: (g, 0)),
            pl.BlockSpec((bt, 1), lambda g: (g, 0)),
            pl.BlockSpec((bt, 1), lambda g: (g, 0)),
            pl.BlockSpec((1, EP), lambda g: (0, 0)),
        ],
        out_shape=[
            jax.ShapeDtypeStruct((N, 1), jnp.int32),
            jax.ShapeDtypeStruct((N, 1), jnp.float32),
            jax.ShapeDtypeStruct((N, 1), jnp.int32),
            jax.ShapeDtypeStruct((1, EP), jnp.int32),
        ],
        scratch_shapes=[pltpu.VMEM((1, EP), jnp.float32)],
        compiler_params=pltpu.CompilerParams(
            dimension_semantics=("arbitrary",),
        ),
    )(x2, wp, bp)
    return idx.reshape(N), val.reshape(N), rank.reshape(N), cnt[0, :E]


def _row_gather_body(tab_hbm, ind_hbm, out_hbm, idx_v, buf0, buf1,
                     sem0, sem1, wsem0, wsem1, *, nrows):
    wid = lax.axis_index("s") * NC + lax.axis_index("c")
    rpw = nrows // NW
    base = wid * rpw
    nchunk = rpw // 32
    for c in range(nchunk):
        pltpu.sync_copy(ind_hbm.at[pl.ds(base + 32 * c, 32)], idx_v.at[c])
    bufs = (buf0, buf1)
    sems = (sem0, sem1)
    wsems = (wsem0, wsem1)

    def wcopy(c):
        return pltpu.make_async_copy(
            bufs[c % 2], out_hbm.at[pl.ds(base + 32 * c, 32)], wsems[c % 2])

    cps = [None, None]
    cps[0] = pltpu.async_copy(tab_hbm.at[idx_v.at[0]], bufs[0], sems[0])
    for c in range(nchunk):
        if c + 1 < nchunk:
            if c >= 1:
                wcopy(c - 1).wait()
            cps[(c + 1) % 2] = pltpu.async_copy(
                tab_hbm.at[idx_v.at[c + 1]], bufs[(c + 1) % 2],
                sems[(c + 1) % 2])
        cps[c % 2].wait()
        wcopy(c).start()
    for c in range(max(nchunk - 2, 0), nchunk):
        wcopy(c).wait()


@functools.lru_cache(maxsize=None)
def _row_gather(nrows):
    return pl.kernel(
        functools.partial(_row_gather_body, nrows=nrows),
        out_type=jax.ShapeDtypeStruct((nrows, DIM), jnp.float32),
        mesh=plsc.VectorSubcoreMesh(core_axis_name="c", subcore_axis_name="s"),
        scratch_types=[
            pltpu.VMEM((nrows // NW // 32, 32), jnp.int32),
            pltpu.VMEM((32, DIM), jnp.float32),
            pltpu.VMEM((32, DIM), jnp.float32),
            pltpu.SemaphoreType.DMA,
            pltpu.SemaphoreType.DMA,
            pltpu.SemaphoreType.DMA,
            pltpu.SemaphoreType.DMA,
        ],
    )


NCH = 4
CH = HID // NCH


def _ffn_body(nt_ref, ts_ref, xp_ref, w1_any, b1_ref, w2_any, b2_ref, sc_ref,
              out_ref, w1ring, w2ring, w1sem, w2sem):
    e = pl.program_id(0)

    def w1_copy(ee, c):
        return pltpu.make_async_copy(
            w1_any.at[ee, :, pl.ds(c * CH, CH)], w1ring.at[c], w1sem.at[c])

    def w2_copy(ee, c):
        return pltpu.make_async_copy(
            w2_any.at[ee, pl.ds(c * CH, CH), :], w2ring.at[c], w2sem.at[c])

    @pl.when(e == 0)
    def _():
        for c in range(NCH):
            w1_copy(0, c).start()
            w2_copy(0, c).start()

    for c in range(NCH):
        w1_copy(e, c).wait()
        w2_copy(e, c).wait()
        w1b = w1ring[c].astype(jnp.bfloat16)
        w2b = w2ring[c].astype(jnp.bfloat16)
        b1row = b1_ref[pl.ds(e, 1), 0, pl.ds(c * CH, CH)]
        nt = nt_ref[e]
        ts = ts_ref[e]

        def tile_body(j, _):
            row0 = (ts + j) * T
            xb = xp_ref[pl.ds(row0, T), :].astype(jnp.bfloat16)
            h = jnp.dot(xb, w1b, preferred_element_type=jnp.float32) + b1row
            h = 0.5 * h * (1.0 + lax.erf(h * 0.7071067811865476))
            yp = jnp.dot(h.astype(jnp.bfloat16), w2b,
                         preferred_element_type=jnp.float32)
            if c == 0:
                out_ref[pl.ds(row0, T), :] = yp
            elif c == NCH - 1:
                b2row = b2_ref[pl.ds(e, 1), 0, :]
                acc = out_ref[pl.ds(row0, T), :] + yp + b2row
                out_ref[pl.ds(row0, T), :] = acc * sc_ref[pl.ds(row0, T), :]
            else:
                out_ref[pl.ds(row0, T), :] = out_ref[pl.ds(row0, T), :] + yp
            return 0

        lax.fori_loop(0, nt, tile_body, 0)

        @pl.when(e + 1 < E)
        def _():
            w1_copy(e + 1, c).start()
            w2_copy(e + 1, c).start()


def _ffn(ntiles, tstart, x_pad, W1, b1, W2, b2, score_pad):
    return pl.pallas_call(
        _ffn_body,
        grid_spec=pltpu.PrefetchScalarGridSpec(
            num_scalar_prefetch=2,
            grid=(E,),
            in_specs=[
                pl.BlockSpec((ROWS, DIM), lambda e, nt, ts: (0, 0)),
                pl.BlockSpec(memory_space=pl.ANY),
                pl.BlockSpec((E, 1, HID), lambda e, nt, ts: (0, 0, 0)),
                pl.BlockSpec(memory_space=pl.ANY),
                pl.BlockSpec((E, 1, DIM), lambda e, nt, ts: (0, 0, 0)),
                pl.BlockSpec((ROWS, 1), lambda e, nt, ts: (0, 0)),
            ],
            out_specs=pl.BlockSpec((ROWS, DIM), lambda e, nt, ts: (0, 0)),
            scratch_shapes=[
                pltpu.VMEM((NCH, DIM, CH), jnp.float32),
                pltpu.VMEM((NCH, CH, DIM), jnp.float32),
                pltpu.SemaphoreType.DMA((NCH,)),
                pltpu.SemaphoreType.DMA((NCH,)),
            ],
        ),
        out_shape=jax.ShapeDtypeStruct((ROWS, DIM), jnp.float32),
        compiler_params=pltpu.CompilerParams(
            dimension_semantics=("arbitrary",),
            vmem_limit_bytes=100 * 1024 * 1024,
        ),
    )(ntiles, tstart, x_pad, W1, b1.reshape(E, 1, HID), W2,
      b2.reshape(E, 1, DIM), score_pad)


def kernel(x, gate_W, gate_b, W1, b1, W2, b2):
    x2 = x.reshape(N, DIM)
    idx, score, rank, counts = _gate(x2, gate_W, gate_b)

    ntiles = (counts + T - 1) // T
    tile_off = jnp.concatenate([jnp.zeros((1,), jnp.int32),
                                jnp.cumsum(ntiles).astype(jnp.int32)])
    dst = tile_off[idx] * T + rank
    src_pad = (jnp.arange(ROWS, dtype=jnp.int32) % N).at[dst].set(
        jnp.arange(N, dtype=jnp.int32))

    x_pad = _row_gather(ROWS)(x2, src_pad)
    score_pad = jnp.zeros((ROWS,), jnp.float32).at[dst].set(score)

    y_pad = _ffn(ntiles, tile_off[:E], x_pad, W1, b1, W2, b2,
                 score_pad.reshape(ROWS, 1))

    out = _row_gather(N)(y_pad, dst)
    return out.reshape(1, N, DIM)

# --- scband reference (transcript-rebuilt; emitter-appended) ---
"""Pipeline reference for scband-mo-effn-27487790694795 (READ-ONLY COPY).

The authoritative reference and input builder live on the scoring server;
editing this copy changes nothing except your own understanding.
"""

import jax, jax.numpy as jnp
import numpy as np

DIM = 1024
E = 8
HID = 2048
TOPK = 1
B = 1
N = 2048


def setup_inputs(seed: int = 0) -> dict:
    key = jax.random.key(seed)
    ks = jax.random.split(key, 6)
    x = jax.random.normal(ks[0], (B, N, DIM), dtype=jnp.float32)
    gate_W = jax.random.normal(ks[1], (DIM, E), dtype=jnp.float32) * 0.02
    gate_b = jnp.zeros((E,), dtype=jnp.float32)
    W1 = jax.random.normal(ks[2], (E, DIM, HID), dtype=jnp.float32) * 0.02
    b1 = jnp.zeros((E, HID), dtype=jnp.float32)
    W2 = jax.random.normal(ks[3], (E, HID, DIM), dtype=jnp.float32) * 0.02
    b2 = jnp.zeros((E, DIM), dtype=jnp.float32)
    return {"x": x, "gate_W": gate_W, "gate_b": gate_b, "W1": W1, "b1": b1, "W2": W2, "b2": b2}


def reference(x, gate_W, gate_b, W1, b1, W2, b2):
    # gate: Linear(dim, num_experts)
    gate_scores = jnp.einsum('bnd,de->bne', x, gate_W) + gate_b  # [B, N, E]
    # torch.topk over last dim (note: raw scores, no softmax, matching original)
    topk_scores, topk_idx = jax.lax.top_k(gate_scores, TOPK)  # [B, N, TOPK]
    out = jnp.zeros_like(x)
    for i in range(TOPK):
        idx = topk_idx[..., i]                      # [B, N] int32
        w = topk_scores[..., i][..., None]          # [B, N, 1]
        for e in range(E):
            mask = (idx == e).astype(x.dtype)[..., None]  # [B, N, 1]
            # expert e: Linear -> GELU (exact, erf-based like torch default) -> Linear
            h = jax.nn.gelu(jnp.einsum('bnd,dh->bnh', x, W1[e]) + b1[e], approximate=False)
            y = jnp.einsum('bnh,hd->bnd', h, W2[e]) + b2[e]
            out = out + mask * w * y
    return out

if __name__ == "__main__":
    import jax
    _d = setup_inputs()
    print(jax.jit(kernel)(*tuple(_d.values())))

</pallas_src>

<mosaic_0001>
#map = affine_map<(d0, d1) -> (0, 0)>
#map1 = affine_map<(d0, d1) -> (0)>
module attributes {stable_mosaic.version = 14 : i64} {
  func.func @_row_gather_body(%arg0: i32, %arg1: i32, %arg2: memref<3072x1024xf32, #tpu.memory_space<hbm>>, %arg3: memref<2048xi32, #tpu.memory_space<hbm>>, %arg4: memref<2048x1024xf32, #tpu.memory_space<hbm>>, %arg5: memref<2x32xi32, #tpu.memory_space<vmem>>, %arg6: memref<32x1024xf32, #tpu.memory_space<vmem>>, %arg7: memref<32x1024xf32, #tpu.memory_space<vmem>>, %arg8: memref<!tpu.dma_semaphore, #tpu.memory_space<semaphore_mem>>, %arg9: memref<!tpu.dma_semaphore, #tpu.memory_space<semaphore_mem>>, %arg10: memref<!tpu.dma_semaphore, #tpu.memory_space<semaphore_mem>>, %arg11: memref<!tpu.dma_semaphore, #tpu.memory_space<semaphore_mem>>) attributes {dimension_semantics = [#tpu.dimension_semantics<core_parallel>, #tpu.dimension_semantics<subcore_parallel>], iteration_bounds = array<i64: 2, 16>, scalar_prefetch = 0 : i64, scratch_operands = 7 : i64, tpu.core_type = #tpu.core_type<sc_vector_subcore>, window_params = [{transform_indices = #map}, {transform_indices = #map1}, {transform_indices = #map}]} {
    %mul3A = arith.constant 2 : i32
    %mul3A_0 = arith.muli %arg1, %mul3A : i32
    %add3A = arith.addi %mul3A_0, %arg0 : i32
    %mul3A_1 = arith.constant 64 : i32
    %mul3A_2 = arith.muli %add3A, %mul3A_1 : i32
    %add3A_3 = arith.constant 0 : i32
    %add3A_4 = arith.addi %mul3A_2, %add3A_3 : i32
    %run_scoped3A = arith.constant 0 : i32
    "tpu.region"() ({
      %run_scoped3A_58 = tpu.sem_alloc : memref<!tpu.dma_semaphore, #tpu.memory_space<semaphore_mem>>
      %dma_start3A_59 = arith.constant 0 : i32
      %dma_start3A_60 = tpu.memref_slice %arg5[%run_scoped3A, %dma_start3A_59] : memref<2x32xi32, #tpu.memory_space<vmem>> -> memref<1x32xi32, #tpu.memory_space<vmem>>
      %dma_start3A_61 = tpu.memref_squeeze %dma_start3A_60 : memref<1x32xi32, #tpu.memory_space<vmem>> -> memref<32xi32, #tpu.memory_space<vmem>>
      %dma_start3A_62 = tpu.memref_slice %arg3[%add3A_4] : memref<2048xi32, #tpu.memory_space<hbm>> -> memref<32xi32, #tpu.memory_space<hbm>>
      %dma_start3A_63 = arith.constant 0 : i32
      %dma_start3A_64 = tpu.memref_slice %arg5[%run_scoped3A, %dma_start3A_63] : memref<2x32xi32, #tpu.memory_space<vmem>> -> memref<1x32xi32, #tpu.memory_space<vmem>>
      %dma_start3A_65 = tpu.memref_squeeze %dma_start3A_64 : memref<1x32xi32, #tpu.memory_space<vmem>> -> memref<32xi32, #tpu.memory_space<vmem>>
      %dma_start3A_66 = tpu.memref_slice %arg3[%add3A_4] : memref<2048xi32, #tpu.memory_space<hbm>> -> memref<32xi32, #tpu.memory_space<hbm>>
      tpu.enqueue_dma source(%dma_start3A_66 : memref<32xi32, #tpu.memory_space<hbm>>) target(%dma_start3A_65 : memref<32xi32, #tpu.memory_space<vmem>>) target_semaphore(%run_scoped3A_58 : memref<!tpu.dma_semaphore, #tpu.memory_space<semaphore_mem>>)
      %dma_wait3A_67 = arith.constant 0 : i32
      %dma_wait3A_68 = tpu.memref_slice %arg5[%run_scoped3A, %dma_wait3A_67] : memref<2x32xi32, #tpu.memory_space<vmem>> -> memref<1x32xi32, #tpu.memory_space<vmem>>
      %dma_wait3A_69 = tpu.memref_squeeze %dma_wait3A_68 : memref<1x32xi32, #tpu.memory_space<vmem>> -> memref<32xi32, #tpu.memory_space<vmem>>
      %dma_wait3A_70 = tpu.memref_slice %arg3[%add3A_4] : memref<2048xi32, #tpu.memory_space<hbm>> -> memref<32xi32, #tpu.memory_space<hbm>>
      %dma_wait3A_71 = arith.constant 0 : i32
      %dma_wait3A_72 = tpu.memref_slice %arg5[%run_scoped3A, %dma_wait3A_71] : memref<2x32xi32, #tpu.memory_space<vmem>> -> memref<1x32xi32, #tpu.memory_space<vmem>>
      %dma_wait3A_73 = tpu.memref_squeeze %dma_wait3A_72 : memref<1x32xi32, #tpu.memory_space<vmem>> -> memref<32xi32, #tpu.memory_space<vmem>>
      %dma_wait3A_74 = tpu.memref_slice %arg3[%add3A_4] : memref<2048xi32, #tpu.memory_space<hbm>> -> memref<32xi32, #tpu.memory_space<hbm>>
      tpu.wait_dma2 semaphore(%run_scoped3A_58 : memref<!tpu.dma_semaphore, #tpu.memory_space<semaphore_mem>>) src(%dma_wait3A_74 : memref<32xi32, #tpu.memory_space<hbm>>) dst(%dma_wait3A_73 : memref<32xi32, #tpu.memory_space<vmem>>)
      tpu.yield
    }) : () -> ()
    %add3A_5 = arith.constant 32 : i32
    %add3A_6 = arith.addi %mul3A_2, %add3A_5 : i32
    %run_scoped3A_7 = arith.constant 1 : i32
    "tpu.region"() ({
      %run_scoped3A_58 = tpu.sem_alloc : memref<!tpu.dma_semaphore, #tpu.memory_space<semaphore_mem>>
      %dma_start3A_59 = arith.constant 0 : i32
      %dma_start3A_60 = tpu.memref_slice %arg5[%run_scoped3A_7, %dma_start3A_59] : memref<2x32xi32, #tpu.memory_space<vmem>> -> memref<1x32xi32, #tpu.memory_space<vmem>>
      %dma_start3A_61 = tpu.memref_squeeze %dma_start3A_60 : memref<1x32xi32, #tpu.memory_space<vmem>> -> memref<32xi32, #tpu.memory_space<vmem>>
      %dma_start3A_62 = tpu.memref_slice %arg3[%add3A_6] : memref<2048xi32, #tpu.memory_space<hbm>> -> memref<32xi32, #tpu.memory_space<hbm>>
      %dma_start3A_63 = arith.constant 0 : i32
      %dma_start3A_64 = tpu.memref_slice %arg5[%run_scoped3A_7, %dma_start3A_63] : memref<2x32xi32, #tpu.memory_space<vmem>> -> memref<1x32xi32, #tpu.memory_space<vmem>>
      %dma_start3A_65 = tpu.memref_squeeze %dma_start3A_64 : memref<1x32xi32, #tpu.memory_space<vmem>> -> memref<32xi32, #tpu.memory_space<vmem>>
      %dma_start3A_66 = tpu.memref_slice %arg3[%add3A_6] : memref<2048xi32, #tpu.memory_space<hbm>> -> memref<32xi32, #tpu.memory_space<hbm>>
      tpu.enqueue_dma source(%dma_start3A_66 : memref<32xi32, #tpu.memory_space<hbm>>) target(%dma_start3A_65 : memref<32xi32, #tpu.memory_space<vmem>>) target_semaphore(%run_scoped3A_58 : memref<!tpu.dma_semaphore, #tpu.memory_space<semaphore_mem>>)
      %dma_wait3A_67 = arith.constant 0 : i32
      %dma_wait3A_68 = tpu.memref_slice %arg5[%run_scoped3A_7, %dma_wait3A_67] : memref<2x32xi32, #tpu.memory_space<vmem>> -> memref<1x32xi32, #tpu.memory_space<vmem>>
      %dma_wait3A_69 = tpu.memref_squeeze %dma_wait3A_68 : memref<1x32xi32, #tpu.memory_space<vmem>> -> memref<32xi32, #tpu.memory_space<vmem>>
      %dma_wait3A_70 = tpu.memref_slice %arg3[%add3A_6] : memref<2048xi32, #tpu.memory_space<hbm>> -> memref<32xi32, #tpu.memory_space<hbm>>
      %dma_wait3A_71 = arith.constant 0 : i32
      %dma_wait3A_72 = tpu.memref_slice %arg5[%run_scoped3A_7, %dma_wait3A_71] : memref<2x32xi32, #tpu.memory_space<vmem>> -> memref<1x32xi32, #tpu.memory_space<vmem>>
      %dma_wait3A_73 = tpu.memref_squeeze %dma_wait3A_72 : memref<1x32xi32, #tpu.memory_space<vmem>> -> memref<32xi32, #tpu.memory_space<vmem>>
      %dma_wait3A_74 = tpu.memref_slice %arg3[%add3A_6] : memref<2048xi32, #tpu.memory_space<hbm>> -> memref<32xi32, #tpu.memory_space<hbm>>
      tpu.wait_dma2 semaphore(%run_scoped3A_58 : memref<!tpu.dma_semaphore, #tpu.memory_space<semaphore_mem>>) src(%dma_wait3A_74 : memref<32xi32, #tpu.memory_space<hbm>>) dst(%dma_wait3A_73 : memref<32xi32, #tpu.memory_space<vmem>>)
      tpu.yield
    }) : () -> ()
    %dma_start3A = arith.constant 0 : i32
    %dma_start3A_8 = arith.constant 0 : i32
    %dma_start3A_9 = tpu.memref_slice %arg5[%dma_start3A, %dma_start3A_8] : memref<2x32xi32, #tpu.memory_space<vmem>> -> memref<1x32xi32, #tpu.memory_space<vmem>>
    %dma_start3A_10 = tpu.memref_squeeze %dma_start3A_9 : memref<1x32xi32, #tpu.memory_space<vmem>> -> memref<32xi32, #tpu.memory_space<vmem>>
    %dma_start3A_11 = arith.constant 0 : i32
    %dma_start3A_12 = arith.constant 0 : i32
    %dma_start3A_13 = tpu.memref_slice %arg2[%dma_start3A_11, %dma_start3A_12] : memref<3072x1024xf32, #tpu.memory_space<hbm>> -> memref<3072x1024xf32, #tpu.memory_space<hbm>>
    tpu.enqueue_indirect_dma source(%dma_start3A_13 : memref<3072x1024xf32, #tpu.memory_space<hbm>>) target(%arg6 : memref<32x1024xf32, #tpu.memory_space<vmem>>) offsets(%dma_start3A_10 : memref<32xi32, #tpu.memory_space<vmem>>) semaphore(%arg8 : memref<!tpu.dma_semaphore, #tpu.memory_space<semaphore_mem>>)
    %dma_start3A_14 = arith.constant 1 : i32
    %dma_start3A_15 = arith.constant 0 : i32
    %dma_start3A_16 = tpu.memref_slice %arg5[%dma_start3A_14, %dma_start3A_15] : memref<2x32xi32, #tpu.memory_space<vmem>> -> memref<1x32xi32, #tpu.memory_space<vmem>>
    %dma_start3A_17 = tpu.memref_squeeze %dma_start3A_16 : memref<1x32xi32, #tpu.memory_space<vmem>> -> memref<32xi32, #tpu.memory_space<vmem>>
    %dma_start3A_18 = arith.constant 0 : i32
    %dma_start3A_19 = arith.constant 0 : i32
    %dma_start3A_20 = tpu.memref_slice %arg2[%dma_start3A_18, %dma_start3A_19] : memref<3072x1024xf32, #tpu.memory_space<hbm>> -> memref<3072x1024xf32, #tpu.memory_space<hbm>>
    tpu.enqueue_indirect_dma source(%dma_start3A_20 : memref<3072x1024xf32, #tpu.memory_space<hbm>>) target(%arg7 : memref<32x1024xf32, #tpu.memory_space<vmem>>) offsets(%dma_start3A_17 : memref<32xi32, #tpu.memory_space<vmem>>) semaphore(%arg9 : memref<!tpu.dma_semaphore, #tpu.memory_space<semaphore_mem>>)
    %dma_wait3A = arith.constant 0 : i32
    %dma_wait3A_21 = arith.constant 0 : i32
    %dma_wait3A_22 = tpu.memref_slice %arg5[%dma_wait3A, %dma_wait3A_21] : memref<2x32xi32, #tpu.memory_space<vmem>> -> memref<1x32xi32, #tpu.memory_space<vmem>>
    %dma_wait3A_23 = tpu.memref_squeeze %dma_wait3A_22 : memref<1x32xi32, #tpu.memory_space<vmem>> -> memref<32xi32, #tpu.memory_space<vmem>>
    %dma_wait3A_24 = arith.constant 0 : i32
    %dma_wait3A_25 = arith.constant 0 : i32
    %dma_wait3A_26 = tpu.memref_slice %arg2[%dma_wait3A_24, %dma_wait3A_25] : memref<3072x1024xf32, #tpu.memory_space<hbm>> -> memref<3072x1024xf32, #tpu.memory_space<hbm>>
    tpu.wait_indirect_dma semaphore(%arg8 : memref<!tpu.dma_semaphore, #tpu.memory_space<semaphore_mem>>) src(%dma_wait3A_26 : memref<3072x1024xf32, #tpu.memory_space<hbm>>) dst(%arg6 : memref<32x1024xf32, #tpu.memory_space<vmem>>)
    %add3A_27 = arith.constant 0 : i32
    %add3A_28 = arith.addi %mul3A_2, %add3A_27 : i32
    %dma_start3A_29 = arith.constant 0 : i32
    %dma_start3A_30 = tpu.memref_slice %arg4[%add3A_28, %dma_start3A_29] : memref<2048x1024xf32, #tpu.memory_space<hbm>> -> memref<32x1024xf32, #tpu.memory_space<hbm>>
    %dma_start3A_31 = arith.constant 0 : i32
    %dma_start3A_32 = tpu.memref_slice %arg4[%add3A_28, %dma_start3A_31] : memref<2048x1024xf32, #tpu.memory_space<hbm>> -> memref<32x1024xf32, #tpu.memory_space<hbm>>
    tpu.enqueue_dma source(%arg6 : memref<32x1024xf32, #tpu.memory_space<vmem>>) target(%dma_start3A_32 : memref<32x1024xf32, #tpu.memory_space<hbm>>) target_semaphore(%arg10 : memref<!tpu.dma_semaphore, #tpu.memory_space<semaphore_mem>>)
    %dma_wait3A_33 = arith.constant 1 : i32
    %dma_wait3A_34 = arith.constant 0 : i32
    %dma_wait3A_35 = tpu.memref_slice %arg5[%dma_wait3A_33, %dma_wait3A_34] : memref<2x32xi32, #tpu.memory_space<vmem>> -> memref<1x32xi32, #tpu.memory_space<vmem>>
    %dma_wait3A_36 = tpu.memref_squeeze %dma_wait3A_35 : memref<1x32xi32, #tpu.memory_space<vmem>> -> memref<32xi32, #tpu.memory_space<vmem>>
    %dma_wait3A_37 = arith.constant 0 : i32
    %dma_wait3A_38 = arith.constant 0 : i32
    %dma_wait3A_39 = tpu.memref_slice %arg2[%dma_wait3A_37, %dma_wait3A_38] : memref<3072x1024xf32, #tpu.memory_space<hbm>> -> memref<3072x1024xf32, #tpu.memory_space<hbm>>
    tpu.wait_indirect_dma semaphore(%arg9 : memref<!tpu.dma_semaphore, #tpu.memory_space<semaphore_mem>>) src(%dma_wait3A_39 : memref<3072x1024xf32, #tpu.memory_space<hbm>>) dst(%arg7 : memref<32x1024xf32, #tpu.memory_space<vmem>>)
    %add3A_40 = arith.constant 32 : i32
    %add3A_41 = arith.addi %mul3A_2, %add3A_40 : i32
    %dma_start3A_42 = arith.constant 0 : i32
    %dma_start3A_43 = tpu.memref_slice %arg4[%add3A_41, %dma_start3A_42] : memref<2048x1024xf32, #tpu.memory_space<hbm>> -> memref<32x1024xf32, #tpu.memory_space<hbm>>
    %dma_start3A_44 = arith.constant 0 : i32
    %dma_start3A_45 = tpu.memref_slice %arg4[%add3A_41, %dma_start3A_44] : memref<2048x1024xf32, #tpu.memory_space<hbm>> -> memref<32x1024xf32, #tpu.memory_space<hbm>>
    tpu.enqueue_dma source(%arg7 : memref<32x1024xf32, #tpu.memory_space<vmem>>) target(%dma_start3A_45 : memref<32x1024xf32, #tpu.memory_space<hbm>>) target_semaphore(%arg11 : memref<!tpu.dma_semaphore, #tpu.memory_space<semaphore_mem>>)
    %add3A_46 = arith.constant 0 : i32
    %add3A_47 = arith.addi %mul3A_2, %add3A_46 : i32
    %dma_wait3A_48 = arith.constant 0 : i32
    %dma_wait3A_49 = tpu.memref_slice %arg4[%add3A_47, %dma_wait3A_48] : memref<2048x1024xf32, #tpu.memory_space<hbm>> -> memref<32x1024xf32, #tpu.memory_space<hbm>>
    %dma_wait3A_50 = arith.constant 0 : i32
    %dma_wait3A_51 = tpu.memref_slice %arg4[%add3A_47, %dma_wait3A_50] : memref<2048x1024xf32, #tpu.memory_space<hbm>> -> memref<32x1024xf32, #tpu.memory_space<hbm>>
    tpu.wait_dma2 semaphore(%arg10 : memref<!tpu.dma_semaphore, #tpu.memory_space<semaphore_mem>>) src(%arg6 : memref<32x1024xf32, #tpu.memory_space<vmem>>) dst(%dma_wait3A_51 : memref<32x1024xf32, #tpu.memory_space<hbm>>)
    %add3A_52 = arith.constant 32 : i32
    %add3A_53 = arith.addi %mul3A_2, %add3A_52 : i32
    %dma_wait3A_54 = arith.constant 0 : i32
    %dma_wait3A_55 = tpu.memref_slice %arg4[%add3A_53, %dma_wait3A_54] : memref<2048x1024xf32, #tpu.memory_space<hbm>> -> memref<32x1024xf32, #tpu.memory_space<hbm>>
    %dma_wait3A_56 = arith.constant 0 : i32
    %dma_wait3A_57 = tpu.memref_slice %arg4[%add3A_53, %dma_wait3A_56] : memref<2048x1024xf32, #tpu.memory_space<hbm>> -> memref<32x1024xf32, #tpu.memory_space<hbm>>
    tpu.wait_dma2 semaphore(%arg11 : memref<!tpu.dma_semaphore, #tpu.memory_space<semaphore_mem>>) src(%arg7 : memref<32x1024xf32, #tpu.memory_space<vmem>>) dst(%dma_wait3A_57 : memref<32x1024xf32, #tpu.memory_space<hbm>>)
    return
  }
}

#map = affine_map<(d0, d1) -> (0, 0)>
#map1 = affine_map<(d0, d1) -> (0)>
module attributes {stable_mosaic.version = 14 : i64} {
  func.func @_row_gather_body(%arg0: i32, %arg1: i32, %arg2: memref<2048x1024xf32, #tpu.memory_space<hbm>>, %arg3: memref<3072xi32, #tpu.memory_space<hbm>>, %arg4: memref<3072x1024xf32, #tpu.memory_space<hbm>>, %arg5: memref<3x32xi32, #tpu.memory_space<vmem>>, %arg6: memref<32x1024xf32, #tpu.memory_space<vmem>>, %arg7: memref<32x1024xf32, #tpu.memory_space<vmem>>, %arg8: memref<!tpu.dma_semaphore, #tpu.memory_space<semaphore_mem>>, %arg9: memref<!tpu.dma_semaphore, #tpu.memory_space<semaphore_mem>>, %arg10: memref<!tpu.dma_semaphore, #tpu.memory_space<semaphore_mem>>, %arg11: memref<!tpu.dma_semaphore, #tpu.memory_space<semaphore_mem>>) attributes {dimension_semantics = [#tpu.dimension_semantics<core_parallel>, #tpu.dimension_semantics<subcore_parallel>], iteration_bounds = array<i64: 2, 16>, scalar_prefetch = 0 : i64, scratch_operands = 7 : i64, tpu.core_type = #tpu.core_type<sc_vector_subcore>, window_params = [{transform_indices = #map}, {transform_indices = #map1}, {transform_indices = #map}]} {
    %mul3A = arith.constant 2 : i32
    %mul3A_0 = arith.muli %arg1, %mul3A : i32
    %add3A = arith.addi %mul3A_0, %arg0 : i32
    %mul3A_1 = arith.constant 96 : i32
    %mul3A_2 = arith.muli %add3A, %mul3A_1 : i32
    %add3A_3 = arith.constant 0 : i32
    %add3A_4 = arith.addi %mul3A_2, %add3A_3 : i32
    %run_scoped3A = arith.constant 0 : i32
    "tpu.region"() ({
      %run_scoped3A_87 = tpu.sem_alloc : memref<!tpu.dma_semaphore, #tpu.memory_space<semaphore_mem>>
      %dma_start3A_88 = arith.constant 0 : i32
      %dma_start3A_89 = tpu.memref_slice %arg5[%run_scoped3A, %dma_start3A_88] : memref<3x32xi32, #tpu.memory_space<vmem>> -> memref<1x32xi32, #tpu.memory_space<vmem>>
      %dma_start3A_90 = tpu.memref_squeeze %dma_start3A_89 : memref<1x32xi32, #tpu.memory_space<vmem>> -> memref<32xi32, #tpu.memory_space<vmem>>
      %dma_start3A_91 = tpu.memref_slice %arg3[%add3A_4] : memref<3072xi32, #tpu.memory_space<hbm>> -> memref<32xi32, #tpu.memory_space<hbm>>
      %dma_start3A_92 = arith.constant 0 : i32
      %dma_start3A_93 = tpu.memref_slice %arg5[%run_scoped3A, %dma_start3A_92] : memref<3x32xi32, #tpu.memory_space<vmem>> -> memref<1x32xi32, #tpu.memory_space<vmem>>
      %dma_start3A_94 = tpu.memref_squeeze %dma_start3A_93 : memref<1x32xi32, #tpu.memory_space<vmem>> -> memref<32xi32, #tpu.memory_space<vmem>>
      %dma_start3A_95 = tpu.memref_slice %arg3[%add3A_4] : memref<3072xi32, #tpu.memory_space<hbm>> -> memref<32xi32, #tpu.memory_space<hbm>>
      tpu.enqueue_dma source(%dma_start3A_95 : memref<32xi32, #tpu.memory_space<hbm>>) target(%dma_start3A_94 : memref<32xi32, #tpu.memory_space<vmem>>) target_semaphore(%run_scoped3A_87 : memref<!tpu.dma_semaphore, #tpu.memory_space<semaphore_mem>>)
      %dma_wait3A_96 = arith.constant 0 : i32
      %dma_wait3A_97 = tpu.memref_slice %arg5[%run_scoped3A, %dma_wait3A_96] : memref<3x32xi32, #tpu.memory_space<vmem>> -> memref<1x32xi32, #tpu.memory_space<vmem>>
      %dma_wait3A_98 = tpu.memref_squeeze %dma_wait3A_97 : memref<1x32xi32, #tpu.memory_space<vmem>> -> memref<32xi32, #tpu.memory_space<vmem>>
      %dma_wait3A_99 = tpu.memref_slice %arg3[%add3A_4] : memref<3072xi32, #tpu.memory_space<hbm>> -> memref<32xi32, #tpu.memory_space<hbm>>
      %dma_wait3A_100 = arith.constant 0 : i32
      %dma_wait3A_101 = tpu.memref_slice %arg5[%run_scoped3A, %dma_wait3A_100] : memref<3x32xi32, #tpu.memory_space<vmem>> -> memref<1x32xi32, #tpu.memory_space<vmem>>
      %dma_wait3A_102 = tpu.memref_squeeze %dma_wait3A_101 : memref<1x32xi32, #tpu.memory_space<vmem>> -> memref<32xi32, #tpu.memory_space<vmem>>
      %dma_wait3A_103 = tpu.memref_slice %arg3[%add3A_4] : memref<3072xi32, #tpu.memory_space<hbm>> -> memref<32xi32, #tpu.memory_space<hbm>>
      tpu.wait_dma2 semaphore(%run_scoped3A_87 : memref<!tpu.dma_semaphore, #tpu.memory_space<semaphore_mem>>) src(%dma_wait3A_103 : memref<32xi32, #tpu.memory_space<hbm>>) dst(%dma_wait3A_102 : memref<32xi32, #tpu.memory_space<vmem>>)
      tpu.yield
    }) : () -> ()
    %add3A_5 = arith.constant 32 : i32
    %add3A_6 = arith.addi %mul3A_2, %add3A_5 : i32
    %run_scoped3A_7 = arith.constant 1 : i32
    "tpu.region"() ({
      %run_scoped3A_87 = tpu.sem_alloc : memref<!tpu.dma_semaphore, #tpu.memory_space<semaphore_mem>>
      %dma_start3A_88 = arith.constant 0 : i32
      %dma_start3A_89 = tpu.memref_slice %arg5[%run_scoped3A_7, %dma_start3A_88] : memref<3x32xi32, #tpu.memory_space<vmem>> -> memref<1x32xi32, #tpu.memory_space<vmem>>
      %dma_start3A_90 = tpu.memref_squeeze %dma_start3A_89 : memref<1x32xi32, #tpu.memory_space<vmem>> -> memref<32xi32, #tpu.memory_space<vmem>>
      %dma_start3A_91 = tpu.memref_slice %arg3[%add3A_6] : memref<3072xi32, #tpu.memory_space<hbm>> -> memref<32xi32, #tpu.memory_space<hbm>>
      %dma_start3A_92 = arith.constant 0 : i32
      %dma_start3A_93 = tpu.memref_slice %arg5[%run_scoped3A_7, %dma_start3A_92] : memref<3x32xi32, #tpu.memory_space<vmem>> -> memref<1x32xi32, #tpu.memory_space<vmem>>
      %dma_start3A_94 = tpu.memref_squeeze %dma_start3A_93 : memref<1x32xi32, #tpu.memory_space<vmem>> -> memref<32xi32, #tpu.memory_space<vmem>>
      %dma_start3A_95 = tpu.memref_slice %arg3[%add3A_6] : memref<3072xi32, #tpu.memory_space<hbm>> -> memref<32xi32, #tpu.memory_space<hbm>>
      tpu.enqueue_dma source(%dma_start3A_95 : memref<32xi32, #tpu.memory_space<hbm>>) target(%dma_start3A_94 : memref<32xi32, #tpu.memory_space<vmem>>) target_semaphore(%run_scoped3A_87 : memref<!tpu.dma_semaphore, #tpu.memory_space<semaphore_mem>>)
      %dma_wait3A_96 = arith.constant 0 : i32
      %dma_wait3A_97 = tpu.memref_slice %arg5[%run_scoped3A_7, %dma_wait3A_96] : memref<3x32xi32, #tpu.memory_space<vmem>> -> memref<1x32xi32, #tpu.memory_space<vmem>>
      %dma_wait3A_98 = tpu.memref_squeeze %dma_wait3A_97 : memref<1x32xi32, #tpu.memory_space<vmem>> -> memref<32xi32, #tpu.memory_space<vmem>>
      %dma_wait3A_99 = tpu.memref_slice %arg3[%add3A_6] : memref<3072xi32, #tpu.memory_space<hbm>> -> memref<32xi32, #tpu.memory_space<hbm>>
      %dma_wait3A_100 = arith.constant 0 : i32
      %dma_wait3A_101 = tpu.memref_slice %arg5[%run_scoped3A_7, %dma_wait3A_100] : memref<3x32xi32, #tpu.memory_space<vmem>> -> memref<1x32xi32, #tpu.memory_space<vmem>>
      %dma_wait3A_102 = tpu.memref_squeeze %dma_wait3A_101 : memref<1x32xi32, #tpu.memory_space<vmem>> -> memref<32xi32, #tpu.memory_space<vmem>>
      %dma_wait3A_103 = tpu.memref_slice %arg3[%add3A_6] : memref<3072xi32, #tpu.memory_space<hbm>> -> memref<32xi32, #tpu.memory_space<hbm>>
      tpu.wait_dma2 semaphore(%run_scoped3A_87 : memref<!tpu.dma_semaphore, #tpu.memory_space<semaphore_mem>>) src(%dma_wait3A_103 : memref<32xi32, #tpu.memory_space<hbm>>) dst(%dma_wait3A_102 : memref<32xi32, #tpu.memory_space<vmem>>)
      tpu.yield
    }) : () -> ()
    %add3A_8 = arith.constant 64 : i32
    %add3A_9 = arith.addi %mul3A_2, %add3A_8 : i32
    %run_scoped3A_10 = arith.constant 2 : i32
    "tpu.region"() ({
      %run_scoped3A_87 = tpu.sem_alloc : memref<!tpu.dma_semaphore, #tpu.memory_space<semaphore_mem>>
      %dma_start3A_88 = arith.constant 0 : i32
      %dma_start3A_89 = tpu.memref_slice %arg5[%run_scoped3A_10, %dma_start3A_88] : memref<3x32xi32, #tpu.memory_space<vmem>> -> memref<1x32xi32, #tpu.memory_space<vmem>>
      %dma_start3A_90 = tpu.memref_squeeze %dma_start3A_89 : memref<1x32xi32, #tpu.memory_space<vmem>> -> memref<32xi32, #tpu.memory_space<vmem>>
      %dma_start3A_91 = tpu.memref_slice %arg3[%add3A_9] : memref<3072xi32, #tpu.memory_space<hbm>> -> memref<32xi32, #tpu.memory_space<hbm>>
      %dma_start3A_92 = arith.constant 0 : i32
      %dma_start3A_93 = tpu.memref_slice %arg5[%run_scoped3A_10, %dma_start3A_92] : memref<3x32xi32, #tpu.memory_space<vmem>> -> memref<1x32xi32, #tpu.memory_space<vmem>>
      %dma_start3A_94 = tpu.memref_squeeze %dma_start3A_93 : memref<1x32xi32, #tpu.memory_space<vmem>> -> memref<32xi32, #tpu.memory_space<vmem>>
      %dma_start3A_95 = tpu.memref_slice %arg3[%add3A_9] : memref<3072xi32, #tpu.memory_space<hbm>> -> memref<32xi32, #tpu.memory_space<hbm>>
      tpu.enqueue_dma source(%dma_start3A_95 : memref<32xi32, #tpu.memory_space<hbm>>) target(%dma_start3A_94 : memref<32xi32, #tpu.memory_space<vmem>>) target_semaphore(%run_scoped3A_87 : memref<!tpu.dma_semaphore, #tpu.memory_space<semaphore_mem>>)
      %dma_wait3A_96 = arith.constant 0 : i32
      %dma_wait3A_97 = tpu.memref_slice %arg5[%run_scoped3A_10, %dma_wait3A_96] : memref<3x32xi32, #tpu.memory_space<vmem>> -> memref<1x32xi32, #tpu.memory_space<vmem>>
      %dma_wait3A_98 = tpu.memref_squeeze %dma_wait3A_97 : memref<1x32xi32, #tpu.memory_space<vmem>> -> memref<32xi32, #tpu.memory_space<vmem>>
      %dma_wait3A_99 = tpu.memref_slice %arg3[%add3A_9] : memref<3072xi32, #tpu.memory_space<hbm>> -> memref<32xi32, #tpu.memory_space<hbm>>
      %dma_wait3A_100 = arith.constant 0 : i32
      %dma_wait3A_101 = tpu.memref_slice %arg5[%run_scoped3A_10, %dma_wait3A_100] : memref<3x32xi32, #tpu.memory_space<vmem>> -> memref<1x32xi32, #tpu.memory_space<vmem>>
      %dma_wait3A_102 = tpu.memref_squeeze %dma_wait3A_101 : memref<1x32xi32, #tpu.memory_space<vmem>> -> memref<32xi32, #tpu.memory_space<vmem>>
      %dma_wait3A_103 = tpu.memref_slice %arg3[%add3A_9] : memref<3072xi32, #tpu.memory_space<hbm>> -> memref<32xi32, #tpu.memory_space<hbm>>
      tpu.wait_dma2 semaphore(%run_scoped3A_87 : memref<!tpu.dma_semaphore, #tpu.memory_space<semaphore_mem>>) src(%dma_wait3A_103 : memref<32xi32, #tpu.memory_space<hbm>>) dst(%dma_wait3A_102 : memref<32xi32, #tpu.memory_space<vmem>>)
      tpu.yield
    }) : () -> ()
    %dma_start3A = arith.constant 0 : i32
    %dma_start3A_11 = arith.constant 0 : i32
    %dma_start3A_12 = tpu.memref_slice %arg5[%dma_start3A, %dma_start3A_11] : memref<3x32xi32, #tpu.memory_space<vmem>> -> memref<1x32xi32, #tpu.memory_space<vmem>>
    %dma_start3A_13 = tpu.memref_squeeze %dma_start3A_12 : memref<1x32xi32, #tpu.memory_space<vmem>> -> memref<32xi32, #tpu.memory_space<vmem>>
    %dma_start3A_14 = arith.constant 0 : i32
    %dma_start3A_15 = arith.constant 0 : i32
    %dma_start3A_16 = tpu.memref_slice %arg2[%dma_start3A_14, %dma_start3A_15] : memref<2048x1024xf32, #tpu.memory_space<hbm>> -> memref<2048x1024xf32, #tpu.memory_space<hbm>>
    tpu.enqueue_indirect_dma source(%dma_start3A_16 : memref<2048x1024xf32, #tpu.memory_space<hbm>>) target(%arg6 : memref<32x1024xf32, #tpu.memory_space<vmem>>) offsets(%dma_start3A_13 : memref<32xi32, #tpu.memory_space<vmem>>) semaphore(%arg8 : memref<!tpu.dma_semaphore, #tpu.memory_space<semaphore_mem>>)
    %dma_start3A_17 = arith.constant 1 : i32
    %dma_start3A_18 = arith.constant 0 : i32
    %dma_start3A_19 = tpu.memref_slice %arg5[%dma_start3A_17, %dma_start3A_18] : memref<3x32xi32, #tpu.memory_space<vmem>> -> memref<1x32xi32, #tpu.memory_space<vmem>>
    %dma_start3A_20 = tpu.memref_squeeze %dma_start3A_19 : memref<1x32xi32, #tpu.memory_space<vmem>> -> memref<32xi32, #tpu.memory_space<vmem>>
    %dma_start3A_21 = arith.constant 0 : i32
    %dma_start3A_22 = arith.constant 0 : i32
    %dma_start3A_23 = tpu.memref_slice %arg2[%dma_start3A_21, %dma_start3A_22] : memref<2048x1024xf32, #tpu.memory_space<hbm>> -> memref<2048x1024xf32, #tpu.memory_space<hbm>>
    tpu.enqueue_indirect_dma source(%dma_start3A_23 : memref<2048x1024xf32, #tpu.memory_space<hbm>>) target(%arg7 : memref<32x1024xf32, #tpu.memory_space<vmem>>) offsets(%dma_start3A_20 : memref<32xi32, #tpu.memory_space<vmem>>) semaphore(%arg9 : memref<!tpu.dma_semaphore, #tpu.memory_space<semaphore_mem>>)
    %dma_wait3A = arith.constant 0 : i32
    %dma_wait3A_24 = arith.constant 0 : i32
    %dma_wait3A_25 = tpu.memref_slice %arg5[%dma_wait3A, %dma_wait3A_24] : memref<3x32xi32, #tpu.memory_space<vmem>> -> memref<1x32xi32, #tpu.memory_space<vmem>>
    %dma_wait3A_26 = tpu.memref_squeeze %dma_wait3A_25 : memref<1x32xi32, #tpu.memory_space<vmem>> -> memref<32xi32, #tpu.memory_space<vmem>>
    %dma_wait3A_27 = arith.constant 0 : i32
    %dma_wait3A_28 = arith.constant 0 : i32
    %dma_wait3A_29 = tpu.memref_slice %arg2[%dma_wait3A_27, %dma_wait3A_28] : memref<2048x1024xf32, #tpu.memory_space<hbm>> -> memref<2048x1024xf32, #tpu.memory_space<hbm>>
    tpu.wait_indirect_dma semaphore(%arg8 : memref<!tpu.dma_semaphore, #tpu.memory_space<semaphore_mem>>) src(%dma_wait3A_29 : memref<2048x1024xf32, #tpu.memory_space<hbm>>) dst(%arg6 : memref<32x1024xf32, #tpu.memory_space<vmem>>)
    %add3A_30 = arith.constant 0 : i32
    %add3A_31 = arith.addi %mul3A_2, %add3A_30 : i32
    %dma_start3A_32 = arith.constant 0 : i32
    %dma_start3A_33 = tpu.memref_slice %arg4[%add3A_31, %dma_start3A_32] : memref<3072x1024xf32, #tpu.memory_space<hbm>> -> memref<32x1024xf32, #tpu.memory_space<hbm>>
    %dma_start3A_34 = arith.constant 0 : i32
    %dma_start3A_35 = tpu.memref_slice %arg4[%add3A_31, %dma_start3A_34] : memref<3072x1024xf32, #tpu.memory_space<hbm>> -> memref<32x1024xf32, #tpu.memory_space<hbm>>
    tpu.enqueue_dma source(%arg6 : memref<32x1024xf32, #tpu.memory_space<vmem>>) target(%dma_start3A_35 : memref<32x1024xf32, #tpu.memory_space<hbm>>) target_semaphore(%arg10 : memref<!tpu.dma_semaphore, #tpu.memory_space<semaphore_mem>>)
    %add3A_36 = arith.constant 0 : i32
    %add3A_37 = arith.addi %mul3A_2, %add3A_36 : i32
    %dma_wait3A_38 = arith.constant 0 : i32
    %dma_wait3A_39 = tpu.memref_slice %arg4[%add3A_37, %dma_wait3A_38] : memref<3072x1024xf32, #tpu.memory_space<hbm>> -> memref<32x1024xf32, #tpu.memory_space<hbm>>
    %dma_wait3A_40 = arith.constant 0 : i32
    %dma_wait3A_41 = tpu.memref_slice %arg4[%add3A_37, %dma_wait3A_40] : memref<3072x1024xf32, #tpu.memory_space<hbm>> -> memref<32x1024xf32, #tpu.memory_space<hbm>>
    tpu.wait_dma2 semaphore(%arg10 : memref<!tpu.dma_semaphore, #tpu.memory_space<semaphore_mem>>) src(%arg6 : memref<32x1024xf32, #tpu.memory_space<vmem>>) dst(%dma_wait3A_41 : memref<32x1024xf32, #tpu.memory_space<hbm>>)
    %dma_start3A_42 = arith.constant 2 : i32
    %dma_start3A_43 = arith.constant 0 : i32
    %dma_start3A_44 = tpu.memref_slice %arg5[%dma_start3A_42, %dma_start3A_43] : memref<3x32xi32, #tpu.memory_space<vmem>> -> memref<1x32xi32, #tpu.memory_space<vmem>>
    %dma_start3A_45 = tpu.memref_squeeze %dma_start3A_44 : memref<1x32xi32, #tpu.memory_space<vmem>> -> memref<32xi32, #tpu.memory_space<vmem>>
    %dma_start3A_46 = arith.constant 0 : i32
    %dma_start3A_47 = arith.constant 0 : i32
    %dma_start3A_48 = tpu.memref_slice %arg2[%dma_start3A_46, %dma_start3A_47] : memref<2048x1024xf32, #tpu.memory_space<hbm>> -> memref<2048x1024xf32, #tpu.memory_space<hbm>>
    tpu.enqueue_indirect_dma source(%dma_start3A_48 : memref<2048x1024xf32, #tpu.memory_space<hbm>>) target(%arg6 : memref<32x1024xf32, #tpu.memory_space<vmem>>) offsets(%dma_start3A_45 : memref<32xi32, #tpu.memory_space<vmem>>) semaphore(%arg8 : memref<!tpu.dma_semaphore, #tpu.memory_space<semaphore_mem>>)
    %dma_wait3A_49 = arith.constant 1 : i32
    %dma_wait3A_50 = arith.constant 0 : i32
    %dma_wait3A_51 = tpu.memref_slice %arg5[%dma_wait3A_49, %dma_wait3A_50] : memref<3x32xi32, #tpu.memory_space<vmem>> -> memref<1x32xi32, #tpu.memory_space<vmem>>
    %dma_wait3A_52 = tpu.memref_squeeze %dma_wait3A_51 : memref<1x32xi32, #tpu.memory_space<vmem>> -> memref<32xi32, #tpu.memory_space<vmem>>
    %dma_wait3A_53 = arith.constant 0 : i32
    %dma_wait3A_54 = arith.constant 0 : i32
    %dma_wait3A_55 = tpu.memref_slice %arg2[%dma_wait3A_53, %dma_wait3A_54] : memref<2048x1024xf32, #tpu.memory_space<hbm>> -> memref<2048x1024xf32, #tpu.memory_space<hbm>>
    tpu.wait_indirect_dma semaphore(%arg9 : memref<!tpu.dma_semaphore, #tpu.memory_space<semaphore_mem>>) src(%dma_wait3A_55 : memref<2048x1024xf32, #tpu.memory_space<hbm>>) dst(%arg7 : memref<32x1024xf32, #tpu.memory_space<vmem>>)
    %add3A_56 = arith.constant 32 : i32
    %add3A_57 = arith.addi %mul3A_2, %add3A_56 : i32
    %dma_start3A_58 = arith.constant 0 : i32
    %dma_start3A_59 = tpu.memref_slice %arg4[%add3A_57, %dma_start3A_58] : memref<3072x1024xf32, #tpu.memory_space<hbm>> -> memref<32x1024xf32, #tpu.memory_space<hbm>>
    %dma_start3A_60 = arith.constant 0 : i32
    %dma_start3A_61 = tpu.memref_slice %arg4[%add3A_57, %dma_start3A_60] : memref<3072x1024xf32, #tpu.memory_space<hbm>> -> memref<32x1024xf32, #tpu.memory_space<hbm>>
    tpu.enqueue_dma source(%arg7 : memref<32x1024xf32, #tpu.memory_space<vmem>>) target(%dma_start3A_61 : memref<32x1024xf32, #tpu.memory_space<hbm>>) target_semaphore(%arg11 : memref<!tpu.dma_semaphore, #tpu.memory_space<semaphore_mem>>)
    %dma_wait3A_62 = arith.constant 2 : i32
    %dma_wait3A_63 = arith.constant 0 : i32
    %dma_wait3A_64 = tpu.memref_slice %arg5[%dma_wait3A_62, %dma_wait3A_63] : memref<3x32xi32, #tpu.memory_space<vmem>> -> memref<1x32xi32, #tpu.memory_space<vmem>>
    %dma_wait3A_65 = tpu.memref_squeeze %dma_wait3A_64 : memref<1x32xi32, #tpu.memory_space<vmem>> -> memref<32xi32, #tpu.memory_space<vmem>>
    %dma_wait3A_66 = arith.constant 0 : i32
    %dma_wait3A_67 = arith.constant 0 : i32
    %dma_wait3A_68 = tpu.memref_slice %arg2[%dma_wait3A_66, %dma_wait3A_67] : memref<2048x1024xf32, #tpu.memory_space<hbm>> -> memref<2048x1024xf32, #tpu.memory_space<hbm>>
    tpu.wait_indirect_dma semaphore(%arg8 : memref<!tpu.dma_semaphore, #tpu.memory_space<semaphore_mem>>) src(%dma_wait3A_68 : memref<2048x1024xf32, #tpu.memory_space<hbm>>) dst(%arg6 : memref<32x1024xf32, #tpu.memory_space<vmem>>)
    %add3A_69 = arith.constant 64 : i32
    %add3A_70 = arith.addi %mul3A_2, %add3A_69 : i32
    %dma_start3A_71 = arith.constant 0 : i32
    %dma_start3A_72 = tpu.memref_slice %arg4[%add3A_70, %dma_start3A_71] : memref<3072x1024xf32, #tpu.memory_space<hbm>> -> memref<32x1024xf32, #tpu.memory_space<hbm>>
    %dma_start3A_73 = arith.constant 0 : i32
    %dma_start3A_74 = tpu.memref_slice %arg4[%add3A_70, %dma_start3A_73] : memref<3072x1024xf32, #tpu.memory_space<hbm>> -> memref<32x1024xf32, #tpu.memory_space<hbm>>
    tpu.enqueue_dma source(%arg6 : memref<32x1024xf32, #tpu.memory_space<vmem>>) target(%dma_start3A_74 : memref<32x1024xf32, #tpu.memory_space<hbm>>) target_semaphore(%arg10 : memref<!tpu.dma_semaphore, #tpu.memory_space<semaphore_mem>>)
    %add3A_75 = arith.constant 32 : i32
    %add3A_76 = arith.addi %mul3A_2, %add3A_75 : i32
    %dma_wait3A_77 = arith.constant 0 : i32
    %dma_wait3A_78 = tpu.memref_slice %arg4[%add3A_76, %dma_wait3A_77] : memref<3072x1024xf32, #tpu.memory_space<hbm>> -> memref<32x1024xf32, #tpu.memory_space<hbm>>
    %dma_wait3A_79 = arith.constant 0 : i32
    %dma_wait3A_80 = tpu.memref_slice %arg4[%add3A_76, %dma_wait3A_79] : memref<3072x1024xf32, #tpu.memory_space<hbm>> -> memref<32x1024xf32, #tpu.memory_space<hbm>>
    tpu.wait_dma2 semaphore(%arg11 : memref<!tpu.dma_semaphore, #tpu.memory_space<semaphore_mem>>) src(%arg7 : memref<32x1024xf32, #tpu.memory_space<vmem>>) dst(%dma_wait3A_80 : memref<32x1024xf32, #tpu.memory_space<hbm>>)
    %add3A_81 = arith.constant 64 : i32
    %add3A_82 = arith.addi %mul3A_2, %add3A_81 : i32
    %dma_wait3A_83 = arith.constant 0 : i32
    %dma_wait3A_84 = tpu.memref_slice %arg4[%add3A_82, %dma_wait3A_83] : memref<3072x1024xf32, #tpu.memory_space<hbm>> -> memref<32x1024xf32, #tpu.memory_space<hbm>>
    %dma_wait3A_85 = arith.constant 0 : i32
    %dma_wait3A_86 = tpu.memref_slice %arg4[%add3A_82, %dma_wait3A_85] : memref<3072x1024xf32, #tpu.memory_space<hbm>> -> memref<32x1024xf32, #tpu.memory_space<hbm>>
    tpu.wait_dma2 semaphore(%arg10 : memref<!tpu.dma_semaphore, #tpu.memory_space<semaphore_mem>>) src(%arg6 : memref<32x1024xf32, #tpu.memory_space<vmem>>) dst(%dma_wait3A_86 : memref<32x1024xf32, #tpu.memory_space<hbm>>)
    return
  }
}

module attributes {stable_mosaic.version = 14 : i64} {
  func.func @_gate_body(%arg0: i32, %arg1: memref<256x1024xf32, #tpu.memory_space<vmem>>, %arg2: memref<1024x128xf32, #tpu.memory_space<vmem>>, %arg3: memref<1x128xf32, #tpu.memory_space<vmem>>, %arg4: memref<256x1xi32, #tpu.memory_space<vmem>>, %arg5: memref<256x1xf32, #tpu.memory_space<vmem>>, %arg6: memref<256x1xi32, #tpu.memory_space<vmem>>, %arg7: memref<1x128xi32, #tpu.memory_space<vmem>>, %arg8: memref<1x128xf32, #tpu.memory_space<vmem>>) attributes {dimension_semantics = [#tpu.dimension_semantics<arbitrary>], iteration_bounds = array<i64: 8>, scalar_prefetch = 0 : i64, scratch_operands = 1 : i64, tpu.core_type = #tpu.core_type<tc>, window_params = [{transform_indices = @transform_0, window_bounds = array<i64: 256, 1024>}, {pipeline_mode = #tpu.pipeline_mode<synchronous>, transform_indices = @transform_1, window_bounds = array<i64: 1024, 128>}, {pipeline_mode = #tpu.pipeline_mode<synchronous>, transform_indices = @transform_2, window_bounds = array<i64: 1, 128>}, {transform_indices = @transform_3, window_bounds = array<i64: 256, 1>}, {transform_indices = @transform_4, window_bounds = array<i64: 256, 1>}, {transform_indices = @transform_5, window_bounds = array<i64: 256, 1>}, {pipeline_mode = #tpu.pipeline_mode<synchronous>, transform_indices = @transform_6, window_bounds = array<i64: 1, 128>}]} {
    %get3A = arith.constant 0 : index
    %get3A_0 = arith.constant 0 : index
    %get3A_1 = vector.load %arg1[%get3A, %get3A_0] : memref<256x1024xf32, #tpu.memory_space<vmem>>, vector<256x1024xf32>
    %get3A_2 = arith.constant 0 : index
    %get3A_3 = arith.constant 0 : index
    %get3A_4 = vector.load %arg2[%get3A_2, %get3A_3] : memref<1024x128xf32, #tpu.memory_space<vmem>>, vector<1024x128xf32>
    %dot_general3A = arith.constant dense<0.000000e+00> : vector<256x128xf32>
    %dot_general3A_5 = tpu.matmul %get3A_1, %get3A_4, %dot_general3A {dimension_numbers = #tpu.dot_dimension_numbers<[1], [0], [0], [1], [0, 0, 1, 1], [], []>, transpose_lhs_hint = false} : vector<256x1024xf32>, vector<1024x128xf32>, vector<256x128xf32> -> vector<256x128xf32>
    %get3A_6 = arith.constant 0 : index
    %get3A_7 = arith.constant 0 : index
    %get3A_8 = vector.load %arg3[%get3A_6, %get3A_7] : memref<1x128xf32, #tpu.memory_space<vmem>>, vector<1x128xf32>
    %add3A = vector.broadcast %get3A_8 : vector<1x128xf32> to vector<256x128xf32>
    %add3A_9 = arith.addf %dot_general3A_5, %add3A : vector<256x128xf32>
    %reduce_max3A = arith.constant dense<0xFF800000> : vector<256xf32>
    %reduce_max3A_10 = vector.multi_reduction <maximumf>, %add3A_9, %reduce_max3A [1] : vector<256x128xf32> to vector<256xf32>
    %broadcast_in_dim3A = vector.shape_cast %reduce_max3A_10 : vector<256xf32> to vector<256x1xf32>
    %iota3A = tpu.iota {dimensions = array<i32: 1>} : vector<256x128xi32>
    %ge3A = vector.broadcast %broadcast_in_dim3A : vector<256x1xf32> to vector<256x128xf32>
    %ge3A_11 = arith.cmpf oge, %add3A_9, %ge3A : vector<256x128xf32>
    %jit3A = arith.constant 128 : i32
    %broadcast_in_dim3A_12 = vector.broadcast %jit3A : i32 to vector<256x128xi32>
    %select_n3A = arith.select %ge3A_11, %iota3A, %broadcast_in_dim3A_12 : vector<256x128xi1>, vector<256x128xi32>
    %reduce_min3A = arith.constant dense<2147483647> : vector<256xi32>
    %reduce_min3A_13 = vector.multi_reduction <minsi>, %select_n3A, %reduce_min3A [1] : vector<256x128xi32> to vector<256xi32>
    %broadcast_in_dim3A_14 = vector.shape_cast %reduce_min3A_13 : vector<256xi32> to vector<256x1xi32>
    %swap3A = arith.constant 0 : index
    %swap3A_15 = arith.constant 0 : index
    %swap3A_16 = vector.load %arg4[%swap3A, %swap3A_15] : memref<256x1xi32, #tpu.memory_space<vmem>>, vector<256x1xi32>
    tpu.vector_store %arg4[%swap3A, %swap3A_15], %broadcast_in_dim3A_14 {strides = array<i32>} : memref<256x1xi32, #tpu.memory_space<vmem>>, vector<256x1xi32>,
    %swap3A_17 = arith.constant 0 : index
    %swap3A_18 = arith.constant 0 : index
    %swap3A_19 = vector.load %arg5[%swap3A_17, %swap3A_18] : memref<256x1xf32, #tpu.memory_space<vmem>>, vector<256x1xf32>
    tpu.vector_store %arg5[%swap3A_17, %swap3A_18], %broadcast_in_dim3A {strides = array<i32>} : memref<256x1xf32, #tpu.memory_space<vmem>>, vector<256x1xf32>,
    %eq3A = arith.constant 0 : i32
    %eq3A_20 = arith.cmpi eq, %arg0, %eq3A : i32
    %convert_element_type3A = arith.extui %eq3A_20 : i1 to i32
    %cond3A = arith.constant 0 : i32
    %cond3A_21 = arith.cmpi ne, %convert_element_type3A, %cond3A : i32
    scf.if %cond3A_21 {
      %broadcast_in_dim3A_54 = arith.constant 0.000000e+00 : f32
      %broadcast_in_dim3A_55 = vector.broadcast %broadcast_in_dim3A_54 : f32 to vector<1x128xf32>
      %swap3A_56 = arith.constant 0 : index
      %swap3A_57 = arith.constant 0 : index
      %swap3A_58 = vector.load %arg8[%swap3A_56, %swap3A_57] : memref<1x128xf32, #tpu.memory_space<vmem>>, vector<1x128xf32>
      tpu.vector_store %arg8[%swap3A_56, %swap3A_57], %broadcast_in_dim3A_55 {strides = array<i32>} : memref<1x128xf32, #tpu.memory_space<vmem>>, vector<1x128xf32>,
    } else {
    }
    %eq3A_22 = vector.broadcast %broadcast_in_dim3A_14 : vector<256x1xi32> to vector<256x128xi32>
    %eq3A_23 = arith.cmpi eq, %iota3A, %eq3A_22 : vector<256x128xi32>
    %convert_element_type3A_24 = arith.extui %eq3A_23 : vector<256x128xi1> to vector<256x128xi32>
    %convert_element_type3A_25 = arith.sitofp %convert_element_type3A_24 : vector<256x128xi32> to vector<256x128xf32>
    %iota3A_26 = tpu.iota {dimensions = array<i32: 0>} : vector<256x256xi32>
    %iota3A_27 = tpu.iota {dimensions = array<i32: 1>} : vector<256x256xi32>
    %lt3A = arith.cmpi slt, %iota3A_27, %iota3A_26 : vector<256x256xi32>
    %convert_element_type3A_28 = arith.extui %lt3A : vector<256x256xi1> to vector<256x256xi32>
    %convert_element_type3A_29 = arith.sitofp %convert_element_type3A_28 : vector<256x256xi32> to vector<256x256xf32>
    %dot_general3A_30 = arith.constant dense<0.000000e+00> : vector<256x128xf32>
    %dot_general3A_31 = tpu.matmul %convert_element_type3A_29, %convert_element_type3A_25, %dot_general3A_30 {dimension_numbers = #tpu.dot_dimension_numbers<[1], [0], [0], [1], [0, 0, 1, 1], [], []>, transpose_lhs_hint = false} : vector<256x256xf32>, vector<256x128xf32>, vector<256x128xf32> -> vector<256x128xf32>
    %get3A_32 = arith.constant 0 : index
    %get3A_33 = arith.constant 0 : index
    %get3A_34 = vector.load %arg8[%get3A_32, %get3A_33] : memref<1x128xf32, #tpu.memory_space<vmem>>, vector<1x128xf32>
    %add3A_35 = vector.broadcast %get3A_34 : vector<1x128xf32> to vector<256x128xf32>
    %add3A_36 = arith.addf %dot_general3A_31, %add3A_35 : vector<256x128xf32>
    %mul3A = arith.mulf %convert_element_type3A_25, %add3A_36 : vector<256x128xf32>
    %reduce_sum3A = arith.constant dense<0.000000e+00> : vector<256xf32>
    %reduce_sum3A_37 = vector.multi_reduction <add>, %mul3A, %reduce_sum3A [1] : vector<256x128xf32> to vector<256xf32>
    %broadcast_in_dim3A_38 = vector.shape_cast %reduce_sum3A_37 : vector<256xf32> to vector<256x1xf32>
    %convert_element_type3A_39 = arith.fptosi %broadcast_in_dim3A_38 : vector<256x1xf32> to vector<256x1xi32>
    %swap3A_40 = arith.constant 0 : index
    %swap3A_41 = arith.constant 0 : index
    %swap3A_42 = vector.load %arg6[%swap3A_40, %swap3A_41] : memref<256x1xi32, #tpu.memory_space<vmem>>, vector<256x1xi32>
    tpu.vector_store %arg6[%swap3A_40, %swap3A_41], %convert_element_type3A_39 {strides = array<i32>} : memref<256x1xi32, #tpu.memory_space<vmem>>, vector<256x1xi32>,
    %reduce_sum3A_43 = arith.constant dense<0.000000e+00> : vector<128xf32>
    %reduce_sum3A_44 = vector.multi_reduction <add>, %convert_element_type3A_25, %reduce_sum3A_43 [0] : vector<256x128xf32> to vector<128xf32>
    %broadcast_in_dim3A_45 = vector.shape_cast %reduce_sum3A_44 : vector<128xf32> to vector<1x128xf32>
    %add3A_46 = arith.addf %get3A_34, %broadcast_in_dim3A_45 : vector<1x128xf32>
    %swap3A_47 = arith.constant 0 : index
    %swap3A_48 = arith.constant 0 : index
    %swap3A_49 = vector.load %arg8[%swap3A_47, %swap3A_48] : memref<1x128xf32, #tpu.memory_space<vmem>>, vector<1x128xf32>
    tpu.vector_store %arg8[%swap3A_47, %swap3A_48], %add3A_46 {strides = array<i32>} : memref<1x128xf32, #tpu.memory_space<vmem>>, vector<1x128xf32>,
    %convert_element_type3A_50 = arith.fptosi %add3A_46 : vector<1x128xf32> to vector<1x128xi32>
    %swap3A_51 = arith.constant 0 : index
    %swap3A_52 = arith.constant 0 : index
    %swap3A_53 = vector.load %arg7[%swap3A_51, %swap3A_52] : memref<1x128xi32, #tpu.memory_space<vmem>>, vector<1x128xi32>
    tpu.vector_store %arg7[%swap3A_51, %swap3A_52], %convert_element_type3A_50 {strides = array<i32>} : memref<1x128xi32, #tpu.memory_space<vmem>>, vector<1x128xi32>,
    return
  }
  func.func @transform_0(%arg0: i32) -> (i32, i32) {
    %c0_i32 = arith.constant 0 : i32
    %c0_i32_0 = arith.constant 0 : i32
    return %arg0, %c0_i32 : i32, i32
  }
  func.func @transform_1(%arg0: i32) -> (i32, i32) {
    %c0_i32 = arith.constant 0 : i32
    %c0_i32_0 = arith.constant 0 : i32
    %c0_i32_1 = arith.constant 0 : i32
    return %c0_i32, %c0_i32_0 : i32, i32
  }
  func.func @transform_2(%arg0: i32) -> (i32, i32) {
    %c0_i32 = arith.constant 0 : i32
    %c0_i32_0 = arith.constant 0 : i32
    %c0_i32_1 = arith.constant 0 : i32
    return %c0_i32, %c0_i32_0 : i32, i32
  }
  func.func @transform_3(%arg0: i32) -> (i32, i32) {
    %c0_i32 = arith.constant 0 : i32
    %c0_i32_0 = arith.constant 0 : i32
    return %arg0, %c0_i32 : i32, i32
  }
  func.func @transform_4(%arg0: i32) -> (i32, i32) {
    %c0_i32 = arith.constant 0 : i32
    %c0_i32_0 = arith.constant 0 : i32
    return %arg0, %c0_i32 : i32, i32
  }
  func.func @transform_5(%arg0: i32) -> (i32, i32) {
    %c0_i32 = arith.constant 0 : i32
    %c0_i32_0 = arith.constant 0 : i32
    return %arg0, %c0_i32 : i32, i32
  }
  func.func @transform_6(%arg0: i32) -> (i32, i32) {
    %c0_i32 = arith.constant 0 : i32
    %c0_i32_0 = arith.constant 0 : i32
    %c0_i32_1 = arith.constant 0 : i32
    return %c0_i32, %c0_i32_0 : i32, i32
  }
}

module attributes {stable_mosaic.version = 14 : i64} {
  func.func @_ffn_body(%arg0: i32, %arg1: memref<8xi32, #tpu.memory_space<smem>>, %arg2: memref<8xi32, #tpu.memory_space<smem>>, %arg3: memref<3072x1024xf32, #tpu.memory_space<vmem>>, %arg4: memref<8x1024x2048xf32, #tpu.memory_space<any>>, %arg5: memref<8x1x2048xf32, #tpu.memory_space<vmem>>, %arg6: memref<8x2048x1024xf32, #tpu.memory_space<any>>, %arg7: memref<8x1x1024xf32, #tpu.memory_space<vmem>>, %arg8: memref<3072x1xf32, #tpu.memory_space<vmem>>, %arg9: memref<3072x1024xf32, #tpu.memory_space<vmem>>, %arg10: memref<4x1024x512xf32, #tpu.memory_space<vmem>>, %arg11: memref<4x512x1024xf32, #tpu.memory_space<vmem>>, %arg12: memref<4x!tpu.dma_semaphore, #tpu.memory_space<semaphore_mem>>, %arg13: memref<4x!tpu.dma_semaphore, #tpu.memory_space<semaphore_mem>>) attributes {dimension_semantics = [#tpu.dimension_semantics<arbitrary>], iteration_bounds = array<i64: 8>, scalar_prefetch = 2 : i64, scratch_operands = 4 : i64, tpu.core_type = #tpu.core_type<tc>, window_params = [{pipeline_mode = #tpu.pipeline_mode<synchronous>, transform_indices = @transform_0, window_bounds = array<i64: 3072, 1024>}, {}, {pipeline_mode = #tpu.pipeline_mode<synchronous>, transform_indices = @transform_2, window_bounds = array<i64: 8, 1, 2048>}, {}, {pipeline_mode = #tpu.pipeline_mode<synchronous>, transform_indices = @transform_4, window_bounds = array<i64: 8, 1, 1024>}, {pipeline_mode = #tpu.pipeline_mode<synchronous>, transform_indices = @transform_5, window_bounds = array<i64: 3072, 1>}, {pipeline_mode = #tpu.pipeline_mode<synchronous>, transform_indices = @transform_6, window_bounds = array<i64: 3072, 1024>}]} {
    %eq3A = arith.constant 0 : i32
    %eq3A_0 = arith.cmpi eq, %arg0, %eq3A : i32
    %convert_element_type3A = arith.extui %eq3A_0 : i1 to i32
    %cond3A = arith.constant 0 : i32
    %cond3A_1 = arith.cmpi ne, %convert_element_type3A, %cond3A : i32
    scf.if %cond3A_1 {
      %dma_start3A = arith.constant 0 : i32
      %dma_start3A_253 = arith.constant 0 : i32
      %dma_start3A_254 = arith.constant 0 : i32
      %dma_start3A_255 = tpu.memref_slice %arg12[%dma_start3A_254] : memref<4x!tpu.dma_semaphore, #tpu.memory_space<semaphore_mem>> -> memref<1x!tpu.dma_semaphore, #tpu.memory_space<semaphore_mem>>
      %dma_start3A_256 = tpu.memref_squeeze %dma_start3A_255 : memref<1x!tpu.dma_semaphore, #tpu.memory_space<semaphore_mem>> -> memref<!tpu.dma_semaphore, #tpu.memory_space<semaphore_mem>>
      %dma_start3A_257 = arith.constant 0 : i32
      %dma_start3A_258 = arith.constant 0 : i32
      %dma_start3A_259 = tpu.memref_slice %arg10[%dma_start3A_253, %dma_start3A_257, %dma_start3A_258] : memref<4x1024x512xf32, #tpu.memory_space<vmem>> -> memref<1x1024x512xf32, #tpu.memory_space<vmem>>
      %dma_start3A_260 = tpu.memref_squeeze %dma_start3A_259 : memref<1x1024x512xf32, #tpu.memory_space<vmem>> -> memref<1024x512xf32, #tpu.memory_space<vmem>>
      %dma_start3A_261 = arith.constant 0 : i32
      %dma_start3A_262 = arith.constant 0 : i32
      %dma_start3A_263 = tpu.memref_slice %arg4[%dma_start3A, %dma_start3A_261, %dma_start3A_262] : memref<8x1024x2048xf32, #tpu.memory_space<any>> -> memref<1x1024x512xf32, #tpu.memory_space<any>>
      %dma_start3A_264 = tpu.memref_squeeze %dma_start3A_263 : memref<1x1024x512xf32, #tpu.memory_space<any>> -> memref<1024x512xf32, #tpu.memory_space<any>>
      tpu.enqueue_dma source(%dma_start3A_264 : memref<1024x512xf32, #tpu.memory_space<any>>) target(%dma_start3A_260 : memref<1024x512xf32, #tpu.memory_space<vmem>>) target_semaphore(%dma_start3A_256 : memref<!tpu.dma_semaphore, #tpu.memory_space<semaphore_mem>>)
      %dma_start3A_265 = arith.constant 0 : i32
      %dma_start3A_266 = arith.constant 0 : i32
      %dma_start3A_267 = arith.constant 0 : i32
      %dma_start3A_268 = tpu.memref_slice %arg13[%dma_start3A_267] : memref<4x!tpu.dma_semaphore, #tpu.memory_space<semaphore_mem>> -> memref<1x!tpu.dma_semaphore, #tpu.memory_space<semaphore_mem>>
      %dma_start3A_269 = tpu.memref_squeeze %dma_start3A_268 : memref<1x!tpu.dma_semaphore, #tpu.memory_space<semaphore_mem>> -> memref<!tpu.dma_semaphore, #tpu.memory_space<semaphore_mem>>
      %dma_start3A_270 = arith.constant 0 : i32
      %dma_start3A_271 = arith.constant 0 : i32
      %dma_start3A_272 = tpu.memref_slice %arg11[%dma_start3A_266, %dma_start3A_270, %dma_start3A_271] : memref<4x512x1024xf32, #tpu.memory_space<vmem>> -> memref<1x512x1024xf32, #tpu.memory_space<vmem>>
      %dma_start3A_273 = tpu.memref_squeeze %dma_start3A_272 : memref<1x512x1024xf32, #tpu.memory_space<vmem>> -> memref<512x1024xf32, #tpu.memory_space<vmem>>
      %dma_start3A_274 = arith.constant 0 : i32
      %dma_start3A_275 = arith.constant 0 : i32
      %dma_start3A_276 = tpu.memref_slice %arg6[%dma_start3A_265, %dma_start3A_274, %dma_start3A_275] : memref<8x2048x1024xf32, #tpu.memory_space<any>> -> memref<1x512x1024xf32, #tpu.memory_space<any>>
      %dma_start3A_277 = tpu.memref_squeeze %dma_start3A_276 : memref<1x512x1024xf32, #tpu.memory_space<any>> -> memref<512x1024xf32, #tpu.memory_space<any>>
      tpu.enqueue_dma source(%dma_start3A_277 : memref<512x1024xf32, #tpu.memory_space<any>>) target(%dma_start3A_273 : memref<512x1024xf32, #tpu.memory_space<vmem>>) target_semaphore(%dma_start3A_269 : memref<!tpu.dma_semaphore, #tpu.memory_space<semaphore_mem>>)
      %dma_start3A_278 = arith.constant 0 : i32
      %dma_start3A_279 = arith.constant 1 : i32
      %dma_start3A_280 = arith.constant 1 : i32
      %dma_start3A_281 = tpu.memref_slice %arg12[%dma_start3A_280] : memref<4x!tpu.dma_semaphore, #tpu.memory_space<semaphore_mem>> -> memref<1x!tpu.dma_semaphore, #tpu.memory_space<semaphore_mem>>
      %dma_start3A_282 = tpu.memref_squeeze %dma_start3A_281 : memref<1x!tpu.dma_semaphore, #tpu.memory_space<semaphore_mem>> -> memref<!tpu.dma_semaphore, #tpu.memory_space<semaphore_mem>>
      %dma_start3A_283 = arith.constant 0 : i32
      %dma_start3A_284 = arith.constant 0 : i32
      %dma_start3A_285 = tpu.memref_slice %arg10[%dma_start3A_279, %dma_start3A_283, %dma_start3A_284] : memref<4x1024x512xf32, #tpu.memory_space<vmem>> -> memref<1x1024x512xf32, #tpu.memory_space<vmem>>
      %dma_start3A_286 = tpu.memref_squeeze %dma_start3A_285 : memref<1x1024x512xf32, #tpu.memory_space<vmem>> -> memref<1024x512xf32, #tpu.memory_space<vmem>>
      %dma_start3A_287 = arith.constant 0 : i32
      %dma_start3A_288 = arith.constant 512 : i32
      %dma_start3A_289 = tpu.memref_slice %arg4[%dma_start3A_278, %dma_start3A_287, %dma_start3A_288] : memref<8x1024x2048xf32, #tpu.memory_space<any>> -> memref<1x1024x512xf32, #tpu.memory_space<any>>
      %dma_start3A_290 = tpu.memref_squeeze %dma_start3A_289 : memref<1x1024x512xf32, #tpu.memory_space<any>> -> memref<1024x512xf32, #tpu.memory_space<any>>
      tpu.enqueue_dma source(%dma_start3A_290 : memref<1024x512xf32, #tpu.memory_space<any>>) target(%dma_start3A_286 : memref<1024x512xf32, #tpu.memory_space<vmem>>) target_semaphore(%dma_start3A_282 : memref<!tpu.dma_semaphore, #tpu.memory_space<semaphore_mem>>)
      %dma_start3A_291 = arith.constant 0 : i32
      %dma_start3A_292 = arith.constant 1 : i32
      %dma_start3A_293 = arith.constant 1 : i32
      %dma_start3A_294 = tpu.memref_slice %arg13[%dma_start3A_293] : memref<4x!tpu.dma_semaphore, #tpu.memory_space<semaphore_mem>> -> memref<1x!tpu.dma_semaphore, #tpu.memory_space<semaphore_mem>>
      %dma_start3A_295 = tpu.memref_squeeze %dma_start3A_294 : memref<1x!tpu.dma_semaphore, #tpu.memory_space<semaphore_mem>> -> memref<!tpu.dma_semaphore, #tpu.memory_space<semaphore_mem>>
      %dma_start3A_296 = arith.constant 0 : i32
      %dma_start3A_297 = arith.constant 0 : i32
      %dma_start3A_298 = tpu.memref_slice %arg11[%dma_start3A_292, %dma_start3A_296, %dma_start3A_297] : memref<4x512x1024xf32, #tpu.memory_space<vmem>> -> memref<1x512x1024xf32, #tpu.memory_space<vmem>>
      %dma_start3A_299 = tpu.memref_squeeze %dma_start3A_298 : memref<1x512x1024xf32, #tpu.memory_space<vmem>> -> memref<512x1024xf32, #tpu.memory_space<vmem>>
      %dma_start3A_300 = arith.constant 512 : i32
      %dma_start3A_301 = arith.constant 0 : i32
      %dma_start3A_302 = tpu.memref_slice %arg6[%dma_start3A_291, %dma_start3A_300, %dma_start3A_301] : memref<8x2048x1024xf32, #tpu.memory_space<any>> -> memref<1x512x1024xf32, #tpu.memory_space<any>>
      %dma_start3A_303 = tpu.memref_squeeze %dma_start3A_302 : memref<1x512x1024xf32, #tpu.memory_space<any>> -> memref<512x1024xf32, #tpu.memory_space<any>>
      tpu.enqueue_dma source(%dma_start3A_303 : memref<512x1024xf32, #tpu.memory_space<any>>) target(%dma_start3A_299 : memref<512x1024xf32, #tpu.memory_space<vmem>>) target_semaphore(%dma_start3A_295 : memref<!tpu.dma_semaphore, #tpu.memory_space<semaphore_mem>>)
      %dma_start3A_304 = arith.constant 0 : i32
      %dma_start3A_305 = arith.constant 2 : i32
      %dma_start3A_306 = arith.constant 2 : i32
      %dma_start3A_307 = tpu.memref_slice %arg12[%dma_start3A_306] : memref<4x!tpu.dma_semaphore, #tpu.memory_space<semaphore_mem>> -> memref<1x!tpu.dma_semaphore, #tpu.memory_space<semaphore_mem>>
      %dma_start3A_308 = tpu.memref_squeeze %dma_start3A_307 : memref<1x!tpu.dma_semaphore, #tpu.memory_space<semaphore_mem>> -> memref<!tpu.dma_semaphore, #tpu.memory_space<semaphore_mem>>
      %dma_start3A_309 = arith.constant 0 : i32
      %dma_start3A_310 = arith.constant 0 : i32
      %dma_start3A_311 = tpu.memref_slice %arg10[%dma_start3A_305, %dma_start3A_309, %dma_start3A_310] : memref<4x1024x512xf32, #tpu.memory_space<vmem>> -> memref<1x1024x512xf32, #tpu.memory_space<vmem>>
      %dma_start3A_312 = tpu.memref_squeeze %dma_start3A_311 : memref<1x1024x512xf32, #tpu.memory_space<vmem>> -> memref<1024x512xf32, #tpu.memory_space<vmem>>
      %dma_start3A_313 = arith.constant 0 : i32
      %dma_start3A_314 = arith.constant 1024 : i32
      %dma_start3A_315 = tpu.memref_slice %arg4[%dma_start3A_304, %dma_start3A_313, %dma_start3A_314] : memref<8x1024x2048xf32, #tpu.memory_space<any>> -> memref<1x1024x512xf32, #tpu.memory_space<any>>
      %dma_start3A_316 = tpu.memref_squeeze %dma_start3A_315 : memref<1x1024x512xf32, #tpu.memory_space<any>> -> memref<1024x512xf32, #tpu.memory_space<any>>
      tpu.enqueue_dma source(%dma_start3A_316 : memref<1024x512xf32, #tpu.memory_space<any>>) target(%dma_start3A_312 : memref<1024x512xf32, #tpu.memory_space<vmem>>) target_semaphore(%dma_start3A_308 : memref<!tpu.dma_semaphore, #tpu.memory_space<semaphore_mem>>)
      %dma_start3A_317 = arith.constant 0 : i32
      %dma_start3A_318 = arith.constant 2 : i32
      %dma_start3A_319 = arith.constant 2 : i32
      %dma_start3A_320 = tpu.memref_slice %arg13[%dma_start3A_319] : memref<4x!tpu.dma_semaphore, #tpu.memory_space<semaphore_mem>> -> memref<1x!tpu.dma_semaphore, #tpu.memory_space<semaphore_mem>>
      %dma_start3A_321 = tpu.memref_squeeze %dma_start3A_320 : memref<1x!tpu.dma_semaphore, #tpu.memory_space<semaphore_mem>> -> memref<!tpu.dma_semaphore, #tpu.memory_space<semaphore_mem>>
      %dma_start3A_322 = arith.constant 0 : i32
      %dma_start3A_323 = arith.constant 0 : i32
      %dma_start3A_324 = tpu.memref_slice %arg11[%dma_start3A_318, %dma_start3A_322, %dma_start3A_323] : memref<4x512x1024xf32, #tpu.memory_space<vmem>> -> memref<1x512x1024xf32, #tpu.memory_space<vmem>>
      %dma_start3A_325 = tpu.memref_squeeze %dma_start3A_324 : memref<1x512x1024xf32, #tpu.memory_space<vmem>> -> memref<512x1024xf32, #tpu.memory_space<vmem>>
      %dma_start3A_326 = arith.constant 1024 : i32
      %dma_start3A_327 = arith.constant 0 : i32
      %dma_start3A_328 = tpu.memref_slice %arg6[%dma_start3A_317, %dma_start3A_326, %dma_start3A_327] : memref<8x2048x1024xf32, #tpu.memory_space<any>> -> memref<1x512x1024xf32, #tpu.memory_space<any>>
      %dma_start3A_329 = tpu.memref_squeeze %dma_start3A_328 : memref<1x512x1024xf32, #tpu.memory_space<any>> -> memref<512x1024xf32, #tpu.memory_space<any>>
      tpu.enqueue_dma source(%dma_start3A_329 : memref<512x1024xf32, #tpu.memory_space<any>>) target(%dma_start3A_325 : memref<512x1024xf32, #tpu.memory_space<vmem>>) target_semaphore(%dma_start3A_321 : memref<!tpu.dma_semaphore, #tpu.memory_space<semaphore_mem>>)
      %dma_start3A_330 = arith.constant 0 : i32
      %dma_start3A_331 = arith.constant 3 : i32
      %dma_start3A_332 = arith.constant 3 : i32
      %dma_start3A_333 = tpu.memref_slice %arg12[%dma_start3A_332] : memref<4x!tpu.dma_semaphore, #tpu.memory_space<semaphore_mem>> -> memref<1x!tpu.dma_semaphore, #tpu.memory_space<semaphore_mem>>
      %dma_start3A_334 = tpu.memref_squeeze %dma_start3A_333 : memref<1x!tpu.dma_semaphore, #tpu.memory_space<semaphore_mem>> -> memref<!tpu.dma_semaphore, #tpu.memory_space<semaphore_mem>>
      %dma_start3A_335 = arith.constant 0 : i32
      %dma_start3A_336 = arith.constant 0 : i32
      %dma_start3A_337 = tpu.memref_slice %arg10[%dma_start3A_331, %dma_start3A_335, %dma_start3A_336] : memref<4x1024x512xf32, #tpu.memory_space<vmem>> -> memref<1x1024x512xf32, #tpu.memory_space<vmem>>
      %dma_start3A_338 = tpu.memref_squeeze %dma_start3A_337 : memref<1x1024x512xf32, #tpu.memory_space<vmem>> -> memref<1024x512xf32, #tpu.memory_space<vmem>>
      %dma_start3A_339 = arith.constant 0 : i32
      %dma_start3A_340 = arith.constant 1536 : i32
      %dma_start3A_341 = tpu.memref_slice %arg4[%dma_start3A_330, %dma_start3A_339, %dma_start3A_340] : memref<8x1024x2048xf32, #tpu.memory_space<any>> -> memref<1x1024x512xf32, #tpu.memory_space<any>>
      %dma_start3A_342 = tpu.memref_squeeze %dma_start3A_341 : memref<1x1024x512xf32, #tpu.memory_space<any>> -> memref<1024x512xf32, #tpu.memory_space<any>>
      tpu.enqueue_dma source(%dma_start3A_342 : memref<1024x512xf32, #tpu.memory_space<any>>) target(%dma_start3A_338 : memref<1024x512xf32, #tpu.memory_space<vmem>>) target_semaphore(%dma_start3A_334 : memref<!tpu.dma_semaphore, #tpu.memory_space<semaphore_mem>>)
      %dma_start3A_343 = arith.constant 0 : i32
      %dma_start3A_344 = arith.constant 3 : i32
      %dma_start3A_345 = arith.constant 3 : i32
      %dma_start3A_346 = tpu.memref_slice %arg13[%dma_start3A_345] : memref<4x!tpu.dma_semaphore, #tpu.memory_space<semaphore_mem>> -> memref<1x!tpu.dma_semaphore, #tpu.memory_space<semaphore_mem>>
      %dma_start3A_347 = tpu.memref_squeeze %dma_start3A_346 : memref<1x!tpu.dma_semaphore, #tpu.memory_space<semaphore_mem>> -> memref<!tpu.dma_semaphore, #tpu.memory_space<semaphore_mem>>
      %dma_start3A_348 = arith.constant 0 : i32
      %dma_start3A_349 = arith.constant 0 : i32
      %dma_start3A_350 = tpu.memref_slice %arg11[%dma_start3A_344, %dma_start3A_348, %dma_start3A_349] : memref<4x512x1024xf32, #tpu.memory_space<vmem>> -> memref<1x512x1024xf32, #tpu.memory_space<vmem>>
      %dma_start3A_351 = tpu.memref_squeeze %dma_start3A_350 : memref<1x512x1024xf32, #tpu.memory_space<vmem>> -> memref<512x1024xf32, #tpu.memory_space<vmem>>
      %dma_start3A_352 = arith.constant 1536 : i32
      %dma_start3A_353 = arith.constant 0 : i32
      %dma_start3A_354 = tpu.memref_slice %arg6[%dma_start3A_343, %dma_start3A_352, %dma_start3A_353] : memref<8x2048x1024xf32, #tpu.memory_space<any>> -> memref<1x512x1024xf32, #tpu.memory_space<any>>
      %dma_start3A_355 = tpu.memref_squeeze %dma_start3A_354 : memref<1x512x1024xf32, #tpu.memory_space<any>> -> memref<512x1024xf32, #tpu.memory_space<any>>
      tpu.enqueue_dma source(%dma_start3A_355 : memref<512x1024xf32, #tpu.memory_space<any>>) target(%dma_start3A_351 : memref<512x1024xf32, #tpu.memory_space<vmem>>) target_semaphore(%dma_start3A_347 : memref<!tpu.dma_semaphore, #tpu.memory_space<semaphore_mem>>)
    } else {
    }
    %dma_wait3A = arith.constant 0 : i32
    %dma_wait3A_2 = arith.constant 0 : i32
    %dma_wait3A_3 = tpu.memref_slice %arg12[%dma_wait3A_2] : memref<4x!tpu.dma_semaphore, #tpu.memory_space<semaphore_mem>> -> memref<1x!tpu.dma_semaphore, #tpu.memory_space<semaphore_mem>>
    %dma_wait3A_4 = tpu.memref_squeeze %dma_wait3A_3 : memref<1x!tpu.dma_semaphore, #tpu.memory_space<semaphore_mem>> -> memref<!tpu.dma_semaphore, #tpu.memory_space<semaphore_mem>>
    %dma_wait3A_5 = arith.constant 0 : i32
    %dma_wait3A_6 = arith.constant 0 : i32
    %dma_wait3A_7 = tpu.memref_slice %arg10[%dma_wait3A, %dma_wait3A_5, %dma_wait3A_6] : memref<4x1024x512xf32, #tpu.memory_space<vmem>> -> memref<1x1024x512xf32, #tpu.memory_space<vmem>>
    %dma_wait3A_8 = tpu.memref_squeeze %dma_wait3A_7 : memref<1x1024x512xf32, #tpu.memory_space<vmem>> -> memref<1024x512xf32, #tpu.memory_space<vmem>>
    %dma_wait3A_9 = arith.constant 0 : i32
    %dma_wait3A_10 = arith.constant 0 : i32
    %dma_wait3A_11 = tpu.memref_slice %arg4[%arg0, %dma_wait3A_9, %dma_wait3A_10] : memref<8x1024x2048xf32, #tpu.memory_space<any>> -> memref<1x1024x512xf32, #tpu.memory_space<any>>
    %dma_wait3A_12 = tpu.memref_squeeze %dma_wait3A_11 : memref<1x1024x512xf32, #tpu.memory_space<any>> -> memref<1024x512xf32, #tpu.memory_space<any>>
    tpu.wait_dma2 semaphore(%dma_wait3A_4 : memref<!tpu.dma_semaphore, #tpu.memory_space<semaphore_mem>>) src(%dma_wait3A_12 : memref<1024x512xf32, #tpu.memory_space<any>>) dst(%dma_wait3A_8 : memref<1024x512xf32, #tpu.memory_space<vmem>>)
    %dma_wait3A_13 = arith.constant 0 : i32
    %dma_wait3A_14 = arith.constant 0 : i32
    %dma_wait3A_15 = tpu.memref_slice %arg13[%dma_wait3A_14] : memref<4x!tpu.dma_semaphore, #tpu.memory_space<semaphore_mem>> -> memref<1x!tpu.dma_semaphore, #tpu.memory_space<semaphore_mem>>
    %dma_wait3A_16 = tpu.memref_squeeze %dma_wait3A_15 : memref<1x!tpu.dma_semaphore, #tpu.memory_space<semaphore_mem>> -> memref<!tpu.dma_semaphore, #tpu.memory_space<semaphore_mem>>
    %dma_wait3A_17 = arith.constant 0 : i32
    %dma_wait3A_18 = arith.constant 0 : i32
    %dma_wait3A_19 = tpu.memref_slice %arg11[%dma_wait3A_13, %dma_wait3A_17, %dma_wait3A_18] : memref<4x512x1024xf32, #tpu.memory_space<vmem>> -> memref<1x512x1024xf32, #tpu.memory_space<vmem>>
    %dma_wait3A_20 = tpu.memref_squeeze %dma_wait3A_19 : memref<1x512x1024xf32, #tpu.memory_space<vmem>> -> memref<512x1024xf32, #tpu.memory_space<vmem>>
    %dma_wait3A_21 = arith.constant 0 : i32
    %dma_wait3A_22 = arith.constant 0 : i32
    %dma_wait3A_23 = tpu.memref_slice %arg6[%arg0, %dma_wait3A_21, %dma_wait3A_22] : memref<8x2048x1024xf32, #tpu.memory_space<any>> -> memref<1x512x1024xf32, #tpu.memory_space<any>>
    %dma_wait3A_24 = tpu.memref_squeeze %dma_wait3A_23 : memref<1x512x1024xf32, #tpu.memory_space<any>> -> memref<512x1024xf32, #tpu.memory_space<any>>
    tpu.wait_dma2 semaphore(%dma_wait3A_16 : memref<!tpu.dma_semaphore, #tpu.memory_space<semaphore_mem>>) src(%dma_wait3A_24 : memref<512x1024xf32, #tpu.memory_space<any>>) dst(%dma_wait3A_20 : memref<512x1024xf32, #tpu.memory_space<vmem>>)
    %get3A = arith.constant 0 : index
    %get3A_25 = arith.constant 0 : index
    %get3A_26 = arith.constant 0 : index
    %get3A_27 = vector.load %arg10[%get3A, %get3A_25, %get3A_26] : memref<4x1024x512xf32, #tpu.memory_space<vmem>>, vector<1x1024x512xf32>
    %get3A_28 = vector.shape_cast %get3A_27 : vector<1x1024x512xf32> to vector<1024x512xf32>
    %convert_element_type3A_29 = arith.truncf %get3A_28 : vector<1024x512xf32> to vector<1024x512xbf16>
    %get3A_30 = arith.constant 0 : index
    %get3A_31 = arith.constant 0 : index
    %get3A_32 = arith.constant 0 : index
    %get3A_33 = vector.load %arg11[%get3A_30, %get3A_31, %get3A_32] : memref<4x512x1024xf32, #tpu.memory_space<vmem>>, vector<1x512x1024xf32>
    %get3A_34 = vector.shape_cast %get3A_33 : vector<1x512x1024xf32> to vector<512x1024xf32>
    %convert_element_type3A_35 = arith.truncf %get3A_34 : vector<512x1024xf32> to vector<512x1024xbf16>
    %get3A_36 = arith.index_cast %arg0 : i32 to index
    %get3A_37 = arith.constant 0 : index
    %get3A_38 = arith.constant 0 : index
    %get3A_39 = vector.load %arg5[%get3A_36, %get3A_37, %get3A_38] : memref<8x1x2048xf32, #tpu.memory_space<vmem>>, vector<1x1x512xf32>
    %get3A_40 = vector.shape_cast %get3A_39 : vector<1x1x512xf32> to vector<1x512xf32>
    %get3A_41 = arith.index_cast %arg0 : i32 to index
    %get3A_42 = memref.load %arg1[%get3A_41] : memref<8xi32, #tpu.memory_space<smem>>
    %get3A_43 = arith.index_cast %arg0 : i32 to index
    %get3A_44 = memref.load %arg2[%get3A_43] : memref<8xi32, #tpu.memory_space<smem>>
    %while3A = arith.constant 0 : i32
    %while3A_45 = arith.constant 0 : i32
    %while3A_46 = arith.subi %get3A_42, %while3A : i32
    %while3A_47 = arith.addi %while3A, %while3A_46 : i32
    %while3A_48 = arith.constant 1 : i32
    %while3A_49 = arith.divsi %while3A_46, %while3A_48 : i32
    %while3A_50 = arith.muli %while3A_49, %while3A_48 : i32
    %while3A_51 = arith.addi %while3A, %while3A_50 : i32
    %while3A_52 = arith.constant 1 : i32
    %while3A_53 = scf.for %while3A_253 = %while3A to %while3A_51 step %while3A_52 iter_args(%while3A_254 = %while3A_45) -> (i32)  : i32 {
      %add3A_255 = arith.addi %get3A_44, %while3A_253 : i32
      %mul3A = arith.constant 128 : i32
      %mul3A_256 = arith.muli %add3A_255, %mul3A : i32
      %get3A_257 = arith.index_cast %mul3A_256 : i32 to index
      %get3A_258 = arith.constant 0 : index
      %get3A_259 = vector.load %arg3[%get3A_257, %get3A_258] : memref<3072x1024xf32, #tpu.memory_space<vmem>>, vector<128x1024xf32>
      %convert_element_type3A_260 = arith.truncf %get3A_259 : vector<128x1024xf32> to vector<128x1024xbf16>
      %dot_general3A = arith.constant dense<0.000000e+00> : vector<128x512xf32>
      %dot_general3A_261 = tpu.matmul %convert_element_type3A_260, %convert_element_type3A_29, %dot_general3A {dimension_numbers = #tpu.dot_dimension_numbers<[1], [0], [0], [1], [0, 0, 1, 1], [], []>, transpose_lhs_hint = false} : vector<128x1024xbf16>, vector<1024x512xbf16>, vector<128x512xf32> -> vector<128x512xf32>
      %add3A_262 = vector.broadcast %get3A_40 : vector<1x512xf32> to vector<128x512xf32>
      %add3A_263 = arith.addf %dot_general3A_261, %add3A_262 : vector<128x512xf32>
      %mul3A_264 = arith.constant 5.000000e-01 : f32
      %mul3A_265 = vector.broadcast %mul3A_264 : f32 to vector<128x512xf32>
      %mul3A_266 = arith.mulf %mul3A_265, %add3A_263 : vector<128x512xf32>
      %mul3A_267 = arith.constant 0.707106769 : f32
      %mul3A_268 = vector.broadcast %mul3A_267 : f32 to vector<128x512xf32>
      %mul3A_269 = arith.mulf %add3A_263, %mul3A_268 : vector<128x512xf32>
      %erf3A = math.erf %mul3A_269 : vector<128x512xf32>
      %add3A_270 = arith.constant 1.000000e+00 : f32
      %add3A_271 = vector.broadcast %add3A_270 : f32 to vector<128x512xf32>
      %add3A_272 = arith.addf %add3A_271, %erf3A : vector<128x512xf32>
      %mul3A_273 = arith.mulf %mul3A_266, %add3A_272 : vector<128x512xf32>
      %convert_element_type3A_274 = arith.truncf %mul3A_273 : vector<128x512xf32> to vector<128x512xbf16>
      %dot_general3A_275 = arith.constant dense<0.000000e+00> : vector<128x1024xf32>
      %dot_general3A_276 = tpu.matmul %convert_element_type3A_274, %convert_element_type3A_35, %dot_general3A_275 {dimension_numbers = #tpu.dot_dimension_numbers<[1], [0], [0], [1], [0, 0, 1, 1], [], []>, transpose_lhs_hint = false} : vector<128x512xbf16>, vector<512x1024xbf16>, vector<128x1024xf32> -> vector<128x1024xf32>
      %swap3A = arith.index_cast %mul3A_256 : i32 to index
      %swap3A_277 = arith.constant 0 : index
      %swap3A_278 = vector.load %arg9[%swap3A, %swap3A_277] : memref<3072x1024xf32, #tpu.memory_space<vmem>>, vector<128x1024xf32>
      tpu.vector_store %arg9[%swap3A, %swap3A_277], %dot_general3A_276 {strides = array<i32>} : memref<3072x1024xf32, #tpu.memory_space<vmem>>, vector<128x1024xf32>,
      %while3A_279 = arith.constant 0 : i32
      scf.yield %while3A_279 : i32
    }
    %while3A_54 = arith.constant 1 : i32
    %while3A_55 = scf.for %while3A_253 = %while3A_51 to %while3A_47 step %while3A_54 iter_args(%while3A_254 = %while3A_53) -> (i32)  : i32 {
      %add3A_255 = arith.addi %get3A_44, %while3A_253 : i32
      %mul3A = arith.constant 128 : i32
      %mul3A_256 = arith.muli %add3A_255, %mul3A : i32
      %get3A_257 = arith.index_cast %mul3A_256 : i32 to index
      %get3A_258 = arith.constant 0 : index
      %get3A_259 = vector.load %arg3[%get3A_257, %get3A_258] : memref<3072x1024xf32, #tpu.memory_space<vmem>>, vector<128x1024xf32>
      %convert_element_type3A_260 = arith.truncf %get3A_259 : vector<128x1024xf32> to vector<128x1024xbf16>
      %dot_general3A = arith.constant dense<0.000000e+00> : vector<128x512xf32>
      %dot_general3A_261 = tpu.matmul %convert_element_type3A_260, %convert_element_type3A_29, %dot_general3A {dimension_numbers = #tpu.dot_dimension_numbers<[1], [0], [0], [1], [0, 0, 1, 1], [], []>, transpose_lhs_hint = false} : vector<128x1024xbf16>, vector<1024x512xbf16>, vector<128x512xf32> -> vector<128x512xf32>
      %add3A_262 = vector.broadcast %get3A_40 : vector<1x512xf32> to vector<128x512xf32>
      %add3A_263 = arith.addf %dot_general3A_261, %add3A_262 : vector<128x512xf32>
      %mul3A_264 = arith.constant 5.000000e-01 : f32
      %mul3A_265 = vector.broadcast %mul3A_264 : f32 to vector<128x512xf32>
      %mul3A_266 = arith.mulf %mul3A_265, %add3A_263 : vector<128x512xf32>
      %mul3A_267 = arith.constant 0.707106769 : f32
      %mul3A_268 = vector.broadcast %mul3A_267 : f32 to vector<128x512xf32>
      %mul3A_269 = arith.mulf %add3A_263, %mul3A_268 : vector<128x512xf32>
      %erf3A = math.erf %mul3A_269 : vector<128x512xf32>
      %add3A_270 = arith.constant 1.000000e+00 : f32
      %add3A_271 = vector.broadcast %add3A_270 : f32 to vector<128x512xf32>
      %add3A_272 = arith.addf %add3A_271, %erf3A : vector<128x512xf32>
      %mul3A_273 = arith.mulf %mul3A_266, %add3A_272 : vector<128x512xf32>
      %convert_element_type3A_274 = arith.truncf %mul3A_273 : vector<128x512xf32> to vector<128x512xbf16>
      %dot_general3A_275 = arith.constant dense<0.000000e+00> : vector<128x1024xf32>
      %dot_general3A_276 = tpu.matmul %convert_element_type3A_274, %convert_element_type3A_35, %dot_general3A_275 {dimension_numbers = #tpu.dot_dimension_numbers<[1], [0], [0], [1], [0, 0, 1, 1], [], []>, transpose_lhs_hint = false} : vector<128x512xbf16>, vector<512x1024xbf16>, vector<128x1024xf32> -> vector<128x1024xf32>
      %swap3A = arith.index_cast %mul3A_256 : i32 to index
      %swap3A_277 = arith.constant 0 : index
      %swap3A_278 = vector.load %arg9[%swap3A, %swap3A_277] : memref<3072x1024xf32, #tpu.memory_space<vmem>>, vector<128x1024xf32>
      tpu.vector_store %arg9[%swap3A, %swap3A_277], %dot_general3A_276 {strides = array<i32>} : memref<3072x1024xf32, #tpu.memory_space<vmem>>, vector<128x1024xf32>,
      %while3A_279 = arith.constant 0 : i32
      scf.yield %while3A_279 : i32
    }
    %add3A = arith.constant 1 : i32
    %add3A_56 = arith.addi %arg0, %add3A : i32
    %lt3A = arith.constant 8 : i32
    %lt3A_57 = arith.cmpi slt, %add3A_56, %lt3A : i32
    %convert_element_type3A_58 = arith.extui %lt3A_57 : i1 to i32
    %cond3A_59 = arith.constant 0 : i32
    %cond3A_60 = arith.cmpi ne, %convert_element_type3A_58, %cond3A_59 : i32
    scf.if %cond3A_60 {
      %add3A_253 = arith.constant 1 : i32
      %add3A_254 = arith.addi %arg0, %add3A_253 : i32
      %dma_start3A = arith.constant 0 : i32
      %dma_start3A_255 = arith.constant 0 : i32
      %dma_start3A_256 = tpu.memref_slice %arg12[%dma_start3A_255] : memref<4x!tpu.dma_semaphore, #tpu.memory_space<semaphore_mem>> -> memref<1x!tpu.dma_semaphore, #tpu.memory_space<semaphore_mem>>
      %dma_start3A_257 = tpu.memref_squeeze %dma_start3A_256 : memref<1x!tpu.dma_semaphore, #tpu.memory_space<semaphore_mem>> -> memref<!tpu.dma_semaphore, #tpu.memory_space<semaphore_mem>>
      %dma_start3A_258 = arith.constant 0 : i32
      %dma_start3A_259 = arith.constant 0 : i32
      %dma_start3A_260 = tpu.memref_slice %arg10[%dma_start3A, %dma_start3A_258, %dma_start3A_259] : memref<4x1024x512xf32, #tpu.memory_space<vmem>> -> memref<1x1024x512xf32, #tpu.memory_space<vmem>>
      %dma_start3A_261 = tpu.memref_squeeze %dma_start3A_260 : memref<1x1024x512xf32, #tpu.memory_space<vmem>> -> memref<1024x512xf32, #tpu.memory_space<vmem>>
      %dma_start3A_262 = arith.constant 0 : i32
      %dma_start3A_263 = arith.constant 0 : i32
      %dma_start3A_264 = tpu.memref_slice %arg4[%add3A_254, %dma_start3A_262, %dma_start3A_263] : memref<8x1024x2048xf32, #tpu.memory_space<any>> -> memref<1x1024x512xf32, #tpu.memory_space<any>>
      %dma_start3A_265 = tpu.memref_squeeze %dma_start3A_264 : memref<1x1024x512xf32, #tpu.memory_space<any>> -> memref<1024x512xf32, #tpu.memory_space<any>>
      tpu.enqueue_dma source(%dma_start3A_265 : memref<1024x512xf32, #tpu.memory_space<any>>) target(%dma_start3A_261 : memref<1024x512xf32, #tpu.memory_space<vmem>>) target_semaphore(%dma_start3A_257 : memref<!tpu.dma_semaphore, #tpu.memory_space<semaphore_mem>>)
      %add3A_266 = arith.constant 1 : i32
      %add3A_267 = arith.addi %arg0, %add3A_266 : i32
      %dma_start3A_268 = arith.constant 0 : i32
      %dma_start3A_269 = arith.constant 0 : i32
      %dma_start3A_270 = tpu.memref_slice %arg13[%dma_start3A_269] : memref<4x!tpu.dma_semaphore, #tpu.memory_space<semaphore_mem>> -> memref<1x!tpu.dma_semaphore, #tpu.memory_space<semaphore_mem>>
      %dma_start3A_271 = tpu.memref_squeeze %dma_start3A_270 : memref<1x!tpu.dma_semaphore, #tpu.memory_space<semaphore_mem>> -> memref<!tpu.dma_semaphore, #tpu.memory_space<semaphore_mem>>
      %dma_start3A_272 = arith.constant 0 : i32
      %dma_start3A_273 = arith.constant 0 : i32
      %dma_start3A_274 = tpu.memref_slice %arg11[%dma_start3A_268, %dma_start3A_272, %dma_start3A_273] : memref<4x512x1024xf32, #tpu.memory_space<vmem>> -> memref<1x512x1024xf32, #tpu.memory_space<vmem>>
      %dma_start3A_275 = tpu.memref_squeeze %dma_start3A_274 : memref<1x512x1024xf32, #tpu.memory_space<vmem>> -> memref<512x1024xf32, #tpu.memory_space<vmem>>
      %dma_start3A_276 = arith.constant 0 : i32
      %dma_start3A_277 = arith.constant 0 : i32
      %dma_start3A_278 = tpu.memref_slice %arg6[%add3A_267, %dma_start3A_276, %dma_start3A_277] : memref<8x2048x1024xf32, #tpu.memory_space<any>> -> memref<1x512x1024xf32, #tpu.memory_space<any>>
      %dma_start3A_279 = tpu.memref_squeeze %dma_start3A_278 : memref<1x512x1024xf32, #tpu.memory_space<any>> -> memref<512x1024xf32, #tpu.memory_space<any>>
      tpu.enqueue_dma source(%dma_start3A_279 : memref<512x1024xf32, #tpu.memory_space<any>>) target(%dma_start3A_275 : memref<512x1024xf32, #tpu.memory_space<vmem>>) target_semaphore(%dma_start3A_271 : memref<!tpu.dma_semaphore, #tpu.memory_space<semaphore_mem>>)
    } else {
    }
    %dma_wait3A_61 = arith.constant 1 : i32
    %dma_wait3A_62 = arith.constant 1 : i32
    %dma_wait3A_63 = tpu.memref_slice %arg12[%dma_wait3A_62] : memref<4x!tpu.dma_semaphore, #tpu.memory_space<semaphore_mem>> -> memref<1x!tpu.dma_semaphore, #tpu.memory_space<semaphore_mem>>
    %dma_wait3A_64 = tpu.memref_squeeze %dma_wait3A_63 : memref<1x!tpu.dma_semaphore, #tpu.memory_space<semaphore_mem>> -> memref<!tpu.dma_semaphore, #tpu.memory_space<semaphore_mem>>
    %dma_wait3A_65 = arith.constant 0 : i32
    %dma_wait3A_66 = arith.constant 0 : i32
    %dma_wait3A_67 = tpu.memref_slice %arg10[%dma_wait3A_61, %dma_wait3A_65, %dma_wait3A_66] : memref<4x1024x512xf32, #tpu.memory_space<vmem>> -> memref<1x1024x512xf32, #tpu.memory_space<vmem>>
    %dma_wait3A_68 = tpu.memref_squeeze %dma_wait3A_67 : memref<1x1024x512xf32, #tpu.memory_space<vmem>> -> memref<1024x512xf32, #tpu.memory_space<vmem>>
    %dma_wait3A_69 = arith.constant 0 : i32
    %dma_wait3A_70 = arith.constant 512 : i32
    %dma_wait3A_71 = tpu.memref_slice %arg4[%arg0, %dma_wait3A_69, %dma_wait3A_70] : memref<8x1024x2048xf32, #tpu.memory_space<any>> -> memref<1x1024x512xf32, #tpu.memory_space<any>>
    %dma_wait3A_72 = tpu.memref_squeeze %dma_wait3A_71 : memref<1x1024x512xf32, #tpu.memory_space<any>> -> memref<1024x512xf32, #tpu.memory_space<any>>
    tpu.wait_dma2 semaphore(%dma_wait3A_64 : memref<!tpu.dma_semaphore, #tpu.memory_space<semaphore_mem>>) src(%dma_wait3A_72 : memref<1024x512xf32, #tpu.memory_space<any>>) dst(%dma_wait3A_68 : memref<1024x512xf32, #tpu.memory_space<vmem>>)
    %dma_wait3A_73 = arith.constant 1 : i32
    %dma_wait3A_74 = arith.constant 1 : i32
    %dma_wait3A_75 = tpu.memref_slice %arg13[%dma_wait3A_74] : memref<4x!tpu.dma_semaphore, #tpu.memory_space<semaphore_mem>> -> memref<1x!tpu.dma_semaphore, #tpu.memory_space<semaphore_mem>>
    %dma_wait3A_76 = tpu.memref_squeeze %dma_wait3A_75 : memref<1x!tpu.dma_semaphore, #tpu.memory_space<semaphore_mem>> -> memref<!tpu.dma_semaphore, #tpu.memory_space<semaphore_mem>>
    %dma_wait3A_77 = arith.constant 0 : i32
    %dma_wait3A_78 = arith.constant 0 : i32
    %dma_wait3A_79 = tpu.memref_slice %arg11[%dma_wait3A_73, %dma_wait3A_77, %dma_wait3A_78] : memref<4x512x1024xf32, #tpu.memory_space<vmem>> -> memref<1x512x1024xf32, #tpu.memory_space<vmem>>
    %dma_wait3A_80 = tpu.memref_squeeze %dma_wait3A_79 : memref<1x512x1024xf32, #tpu.memory_space<vmem>> -> memref<512x1024xf32, #tpu.memory_space<vmem>>
    %dma_wait3A_81 = arith.constant 512 : i32
    %dma_wait3A_82 = arith.constant 0 : i32
    %dma_wait3A_83 = tpu.memref_slice %arg6[%arg0, %dma_wait3A_81, %dma_wait3A_82] : memref<8x2048x1024xf32, #tpu.memory_space<any>> -> memref<1x512x1024xf32, #tpu.memory_space<any>>
    %dma_wait3A_84 = tpu.memref_squeeze %dma_wait3A_83 : memref<1x512x1024xf32, #tpu.memory_space<any>> -> memref<512x1024xf32, #tpu.memory_space<any>>
    tpu.wait_dma2 semaphore(%dma_wait3A_76 : memref<!tpu.dma_semaphore, #tpu.memory_space<semaphore_mem>>) src(%dma_wait3A_84 : memref<512x1024xf32, #tpu.memory_space<any>>) dst(%dma_wait3A_80 : memref<512x1024xf32, #tpu.memory_space<vmem>>)
    %get3A_85 = arith.constant 1 : index
    %get3A_86 = arith.constant 0 : index
    %get3A_87 = arith.constant 0 : index
    %get3A_88 = vector.load %arg10[%get3A_85, %get3A_86, %get3A_87] : memref<4x1024x512xf32, #tpu.memory_space<vmem>>, vector<1x1024x512xf32>
    %get3A_89 = vector.shape_cast %get3A_88 : vector<1x1024x512xf32> to vector<1024x512xf32>
    %convert_element_type3A_90 = arith.truncf %get3A_89 : vector<1024x512xf32> to vector<1024x512xbf16>
    %get3A_91 = arith.constant 1 : index
    %get3A_92 = arith.constant 0 : index
    %get3A_93 = arith.constant 0 : index
    %get3A_94 = vector.load %arg11[%get3A_91, %get3A_92, %get3A_93] : memref<4x512x1024xf32, #tpu.memory_space<vmem>>, vector<1x512x1024xf32>
    %get3A_95 = vector.shape_cast %get3A_94 : vector<1x512x1024xf32> to vector<512x1024xf32>
    %convert_element_type3A_96 = arith.truncf %get3A_95 : vector<512x1024xf32> to vector<512x1024xbf16>
    %get3A_97 = arith.index_cast %arg0 : i32 to index
    %get3A_98 = arith.constant 0 : index
    %get3A_99 = arith.constant 512 : index
    %get3A_100 = vector.load %arg5[%get3A_97, %get3A_98, %get3A_99] : memref<8x1x2048xf32, #tpu.memory_space<vmem>>, vector<1x1x512xf32>
    %get3A_101 = vector.shape_cast %get3A_100 : vector<1x1x512xf32> to vector<1x512xf32>
    %get3A_102 = arith.index_cast %arg0 : i32 to index
    %get3A_103 = memref.load %arg1[%get3A_102] : memref<8xi32, #tpu.memory_space<smem>>
    %get3A_104 = arith.index_cast %arg0 : i32 to index
    %get3A_105 = memref.load %arg2[%get3A_104] : memref<8xi32, #tpu.memory_space<smem>>
    %while3A_106 = arith.constant 0 : i32
    %while3A_107 = arith.constant 0 : i32
    %while3A_108 = arith.subi %get3A_103, %while3A_106 : i32
    %while3A_109 = arith.addi %while3A_106, %while3A_108 : i32
    %while3A_110 = arith.constant 1 : i32
    %while3A_111 = arith.divsi %while3A_108, %while3A_110 : i32
    %while3A_112 = arith.muli %while3A_111, %while3A_110 : i32
    %while3A_113 = arith.addi %while3A_106, %while3A_112 : i32
    %while3A_114 = arith.constant 1 : i32
    %while3A_115 = scf.for %while3A_253 = %while3A_106 to %while3A_113 step %while3A_114 iter_args(%while3A_254 = %while3A_107) -> (i32)  : i32 {
      %add3A_255 = arith.addi %get3A_105, %while3A_253 : i32
      %mul3A = arith.constant 128 : i32
      %mul3A_256 = arith.muli %add3A_255, %mul3A : i32
      %get3A_257 = arith.index_cast %mul3A_256 : i32 to index
      %get3A_258 = arith.constant 0 : index
      %get3A_259 = vector.load %arg3[%get3A_257, %get3A_258] : memref<3072x1024xf32, #tpu.memory_space<vmem>>, vector<128x1024xf32>
      %convert_element_type3A_260 = arith.truncf %get3A_259 : vector<128x1024xf32> to vector<128x1024xbf16>
      %dot_general3A = arith.constant dense<0.000000e+00> : vector<128x512xf32>
      %dot_general3A_261 = tpu.matmul %convert_element_type3A_260, %convert_element_type3A_90, %dot_general3A {dimension_numbers = #tpu.dot_dimension_numbers<[1], [0], [0], [1], [0, 0, 1, 1], [], []>, transpose_lhs_hint = false} : vector<128x1024xbf16>, vector<1024x512xbf16>, vector<128x512xf32> -> vector<128x512xf32>
      %add3A_262 = vector.broadcast %get3A_101 : vector<1x512xf32> to vector<128x512xf32>
      %add3A_263 = arith.addf %dot_general3A_261, %add3A_262 : vector<128x512xf32>
      %mul3A_264 = arith.constant 5.000000e-01 : f32
      %mul3A_265 = vector.broadcast %mul3A_264 : f32 to vector<128x512xf32>
      %mul3A_266 = arith.mulf %mul3A_265, %add3A_263 : vector<128x512xf32>
      %mul3A_267 = arith.constant 0.707106769 : f32
      %mul3A_268 = vector.broadcast %mul3A_267 : f32 to vector<128x512xf32>
      %mul3A_269 = arith.mulf %add3A_263, %mul3A_268 : vector<128x512xf32>
      %erf3A = math.erf %mul3A_269 : vector<128x512xf32>
      %add3A_270 = arith.constant 1.000000e+00 : f32
      %add3A_271 = vector.broadcast %add3A_270 : f32 to vector<128x512xf32>
      %add3A_272 = arith.addf %add3A_271, %erf3A : vector<128x512xf32>
      %mul3A_273 = arith.mulf %mul3A_266, %add3A_272 : vector<128x512xf32>
      %convert_element_type3A_274 = arith.truncf %mul3A_273 : vector<128x512xf32> to vector<128x512xbf16>
      %dot_general3A_275 = arith.constant dense<0.000000e+00> : vector<128x1024xf32>
      %dot_general3A_276 = tpu.matmul %convert_element_type3A_274, %convert_element_type3A_96, %dot_general3A_275 {dimension_numbers = #tpu.dot_dimension_numbers<[1], [0], [0], [1], [0, 0, 1, 1], [], []>, transpose_lhs_hint = false} : vector<128x512xbf16>, vector<512x1024xbf16>, vector<128x1024xf32> -> vector<128x1024xf32>
      %get3A_277 = arith.index_cast %mul3A_256 : i32 to index
      %get3A_278 = arith.constant 0 : index
      %get3A_279 = vector.load %arg9[%get3A_277, %get3A_278] : memref<3072x1024xf32, #tpu.memory_space<vmem>>, vector<128x1024xf32>
      %add3A_280 = arith.addf %get3A_279, %dot_general3A_276 : vector<128x1024xf32>
      %swap3A = arith.index_cast %mul3A_256 : i32 to index
      %swap3A_281 = arith.constant 0 : index
      %swap3A_282 = vector.load %arg9[%swap3A, %swap3A_281] : memref<3072x1024xf32, #tpu.memory_space<vmem>>, vector<128x1024xf32>
      tpu.vector_store %arg9[%swap3A, %swap3A_281], %add3A_280 {strides = array<i32>} : memref<3072x1024xf32, #tpu.memory_space<vmem>>, vector<128x1024xf32>,
      %while3A_283 = arith.constant 0 : i32
      scf.yield %while3A_283 : i32
    }
    %while3A_116 = arith.constant 1 : i32
    %while3A_117 = scf.for %while3A_253 = %while3A_113 to %while3A_109 step %while3A_116 iter_args(%while3A_254 = %while3A_115) -> (i32)  : i32 {
      %add3A_255 = arith.addi %get3A_105, %while3A_253 : i32
      %mul3A = arith.constant 128 : i32
      %mul3A_256 = arith.muli %add3A_255, %mul3A : i32
      %get3A_257 = arith.index_cast %mul3A_256 : i32 to index
      %get3A_258 = arith.constant 0 : index
      %get3A_259 = vector.load %arg3[%get3A_257, %get3A_258] : memref<3072x1024xf32, #tpu.memory_space<vmem>>, vector<128x1024xf32>
      %convert_element_type3A_260 = arith.truncf %get3A_259 : vector<128x1024xf32> to vector<128x1024xbf16>
      %dot_general3A = arith.constant dense<0.000000e+00> : vector<128x512xf32>
      %dot_general3A_261 = tpu.matmul %convert_element_type3A_260, %convert_element_type3A_90, %dot_general3A {dimension_numbers = #tpu.dot_dimension_numbers<[1], [0], [0], [1], [0, 0, 1, 1], [], []>, transpose_lhs_hint = false} : vector<128x1024xbf16>, vector<1024x512xbf16>, vector<128x512xf32> -> vector<128x512xf32>
      %add3A_262 = vector.broadcast %get3A_101 : vector<1x512xf32> to vector<128x512xf32>
      %add3A_263 = arith.addf %dot_general3A_261, %add3A_262 : vector<128x512xf32>
      %mul3A_264 = arith.constant 5.000000e-01 : f32
      %mul3A_265 = vector.broadcast %mul3A_264 : f32 to vector<128x512xf32>
      %mul3A_266 = arith.mulf %mul3A_265, %add3A_263 : vector<128x512xf32>
      %mul3A_267 = arith.constant 0.707106769 : f32
      %mul3A_268 = vector.broadcast %mul3A_267 : f32 to vector<128x512xf32>
      %mul3A_269 = arith.mulf %add3A_263, %mul3A_268 : vector<128x512xf32>
      %erf3A = math.erf %mul3A_269 : vector<128x512xf32>
      %add3A_270 = arith.constant 1.000000e+00 : f32
      %add3A_271 = vector.broadcast %add3A_270 : f32 to vector<128x512xf32>
      %add3A_272 = arith.addf %add3A_271, %erf3A : vector<128x512xf32>
      %mul3A_273 = arith.mulf %mul3A_266, %add3A_272 : vector<128x512xf32>
      %convert_element_type3A_274 = arith.truncf %mul3A_273 : vector<128x512xf32> to vector<128x512xbf16>
      %dot_general3A_275 = arith.constant dense<0.000000e+00> : vector<128x1024xf32>
      %dot_general3A_276 = tpu.matmul %convert_element_type3A_274, %convert_element_type3A_96, %dot_general3A_275 {dimension_numbers = #tpu.dot_dimension_numbers<[1], [0], [0], [1], [0, 0, 1, 1], [], []>, transpose_lhs_hint = false} : vector<128x512xbf16>, vector<512x1024xbf16>, vector<128x1024xf32> -> vector<128x1024xf32>
      %get3A_277 = arith.index_cast %mul3A_256 : i32 to index
      %get3A_278 = arith.constant 0 : index
      %get3A_279 = vector.load %arg9[%get3A_277, %get3A_278] : memref<3072x1024xf32, #tpu.memory_space<vmem>>, vector<128x1024xf32>
      %add3A_280 = arith.addf %get3A_279, %dot_general3A_276 : vector<128x1024xf32>
      %swap3A = arith.index_cast %mul3A_256 : i32 to index
      %swap3A_281 = arith.constant 0 : index
      %swap3A_282 = vector.load %arg9[%swap3A, %swap3A_281] : memref<3072x1024xf32, #tpu.memory_space<vmem>>, vector<128x1024xf32>
      tpu.vector_store %arg9[%swap3A, %swap3A_281], %add3A_280 {strides = array<i32>} : memref<3072x1024xf32, #tpu.memory_space<vmem>>, vector<128x1024xf32>,
      %while3A_283 = arith.constant 0 : i32
      scf.yield %while3A_283 : i32
    }
    %add3A_118 = arith.constant 1 : i32
    %add3A_119 = arith.addi %arg0, %add3A_118 : i32
    %lt3A_120 = arith.constant 8 : i32
    %lt3A_121 = arith.cmpi slt, %add3A_119, %lt3A_120 : i32
    %convert_element_type3A_122 = arith.extui %lt3A_121 : i1 to i32
    %cond3A_123 = arith.constant 0 : i32
    %cond3A_124 = arith.cmpi ne, %convert_element_type3A_122, %cond3A_123 : i32
    scf.if %cond3A_124 {
      %add3A_253 = arith.constant 1 : i32
      %add3A_254 = arith.addi %arg0, %add3A_253 : i32
      %dma_start3A = arith.constant 1 : i32
      %dma_start3A_255 = arith.constant 1 : i32
      %dma_start3A_256 = tpu.memref_slice %arg12[%dma_start3A_255] : memref<4x!tpu.dma_semaphore, #tpu.memory_space<semaphore_mem>> -> memref<1x!tpu.dma_semaphore, #tpu.memory_space<semaphore_mem>>
      %dma_start3A_257 = tpu.memref_squeeze %dma_start3A_256 : memref<1x!tpu.dma_semaphore, #tpu.memory_space<semaphore_mem>> -> memref<!tpu.dma_semaphore, #tpu.memory_space<semaphore_mem>>
      %dma_start3A_258 = arith.constant 0 : i32
      %dma_start3A_259 = arith.constant 0 : i32
      %dma_start3A_260 = tpu.memref_slice %arg10[%dma_start3A, %dma_start3A_258, %dma_start3A_259] : memref<4x1024x512xf32, #tpu.memory_space<vmem>> -> memref<1x1024x512xf32, #tpu.memory_space<vmem>>
      %dma_start3A_261 = tpu.memref_squeeze %dma_start3A_260 : memref<1x1024x512xf32, #tpu.memory_space<vmem>> -> memref<1024x512xf32, #tpu.memory_space<vmem>>
      %dma_start3A_262 = arith.constant 0 : i32
      %dma_start3A_263 = arith.constant 512 : i32
      %dma_start3A_264 = tpu.memref_slice %arg4[%add3A_254, %dma_start3A_262, %dma_start3A_263] : memref<8x1024x2048xf32, #tpu.memory_space<any>> -> memref<1x1024x512xf32, #tpu.memory_space<any>>
      %dma_start3A_265 = tpu.memref_squeeze %dma_start3A_264 : memref<1x1024x512xf32, #tpu.memory_space<any>> -> memref<1024x512xf32, #tpu.memory_space<any>>
      tpu.enqueue_dma source(%dma_start3A_265 : memref<1024x512xf32, #tpu.memory_space<any>>) target(%dma_start3A_261 : memref<1024x512xf32, #tpu.memory_space<vmem>>) target_semaphore(%dma_start3A_257 : memref<!tpu.dma_semaphore, #tpu.memory_space<semaphore_mem>>)
      %add3A_266 = arith.constant 1 : i32
      %add3A_267 = arith.addi %arg0, %add3A_266 : i32
      %dma_start3A_268 = arith.constant 1 : i32
      %dma_start3A_269 = arith.constant 1 : i32
      %dma_start3A_270 = tpu.memref_slice %arg13[%dma_start3A_269] : memref<4x!tpu.dma_semaphore, #tpu.memory_space<semaphore_mem>> -> memref<1x!tpu.dma_semaphore, #tpu.memory_space<semaphore_mem>>
      %dma_start3A_271 = tpu.memref_squeeze %dma_start3A_270 : memref<1x!tpu.dma_semaphore, #tpu.memory_space<semaphore_mem>> -> memref<!tpu.dma_semaphore, #tpu.memory_space<semaphore_mem>>
      %dma_start3A_272 = arith.constant 0 : i32
      %dma_start3A_273 = arith.constant 0 : i32
      %dma_start3A_274 = tpu.memref_slice %arg11[%dma_start3A_268, %dma_start3A_272, %dma_start3A_273] : memref<4x512x1024xf32, #tpu.memory_space<vmem>> -> memref<1x512x1024xf32, #tpu.memory_space<vmem>>
      %dma_start3A_275 = tpu.memref_squeeze %dma_start3A_274 : memref<1x512x1024xf32, #tpu.memory_space<vmem>> -> memref<512x1024xf32, #tpu.memory_space<vmem>>
      %dma_start3A_276 = arith.constant 512 : i32
      %dma_start3A_277 = arith.constant 0 : i32
      %dma_start3A_278 = tpu.memref_slice %arg6[%add3A_267, %dma_start3A_276, %dma_start3A_277] : memref<8x2048x1024xf32, #tpu.memory_space<any>> -> memref<1x512x1024xf32, #tpu.memory_space<any>>
      %dma_start3A_279 = tpu.memref_squeeze %dma_start3A_278 : memref<1x512x1024xf32, #tpu.memory_space<any>> -> memref<512x1024xf32, #tpu.memory_space<any>>
      tpu.enqueue_dma source(%dma_start3A_279 : memref<512x1024xf32, #tpu.memory_space<any>>) target(%dma_start3A_275 : memref<512x1024xf32, #tpu.memory_space<vmem>>) target_semaphore(%dma_start3A_271 : memref<!tpu.dma_semaphore, #tpu.memory_space<semaphore_mem>>)
    } else {
    }
    %dma_wait3A_125 = arith.constant 2 : i32
    %dma_wait3A_126 = arith.constant 2 : i32
    %dma_wait3A_127 = tpu.memref_slice %arg12[%dma_wait3A_126] : memref<4x!tpu.dma_semaphore, #tpu.memory_space<semaphore_mem>> -> memref<1x!tpu.dma_semaphore, #tpu.memory_space<semaphore_mem>>
    %dma_wait3A_128 = tpu.memref_squeeze %dma_wait3A_127 : memref<1x!tpu.dma_semaphore, #tpu.memory_space<semaphore_mem>> -> memref<!tpu.dma_semaphore, #tpu.memory_space<semaphore_mem>>
    %dma_wait3A_129 = arith.constant 0 : i32
    %dma_wait3A_130 = arith.constant 0 : i32
    %dma_wait3A_131 = tpu.memref_slice %arg10[%dma_wait3A_125, %dma_wait3A_129, %dma_wait3A_130] : memref<4x1024x512xf32, #tpu.memory_space<vmem>> -> memref<1x1024x512xf32, #tpu.memory_space<vmem>>
    %dma_wait3A_132 = tpu.memref_squeeze %dma_wait3A_131 : memref<1x1024x512xf32, #tpu.memory_space<vmem>> -> memref<1024x512xf32, #tpu.memory_space<vmem>>
    %dma_wait3A_133 = arith.constant 0 : i32
    %dma_wait3A_134 = arith.constant 1024 : i32
    %dma_wait3A_135 = tpu.memref_slice %arg4[%arg0, %dma_wait3A_133, %dma_wait3A_134] : memref<8x1024x2048xf32, #tpu.memory_space<any>> -> memref<1x1024x512xf32, #tpu.memory_space<any>>
    %dma_wait3A_136 = tpu.memref_squeeze %dma_wait3A_135 : memref<1x1024x512xf32, #tpu.memory_space<any>> -> memref<1024x512xf32, #tpu.memory_space<any>>
    tpu.wait_dma2 semaphore(%dma_wait3A_128 : memref<!tpu.dma_semaphore, #tpu.memory_space<semaphore_mem>>) src(%dma_wait3A_136 : memref<1024x512xf32, #tpu.memory_space<any>>) dst(%dma_wait3A_132 : memref<1024x512xf32, #tpu.memory_space<vmem>>)
    %dma_wait3A_137 = arith.constant 2 : i32
    %dma_wait3A_138 = arith.constant 2 : i32
    %dma_wait3A_139 = tpu.memref_slice %arg13[%dma_wait3A_138] : memref<4x!tpu.dma_semaphore, #tpu.memory_space<semaphore_mem>> -> memref<1x!tpu.dma_semaphore, #tpu.memory_space<semaphore_mem>>
    %dma_wait3A_140 = tpu.memref_squeeze %dma_wait3A_139 : memref<1x!tpu.dma_semaphore, #tpu.memory_space<semaphore_mem>> -> memref<!tpu.dma_semaphore, #tpu.memory_space<semaphore_mem>>
    %dma_wait3A_141 = arith.constant 0 : i32
    %dma_wait3A_142 = arith.constant 0 : i32
    %dma_wait3A_143 = tpu.memref_slice %arg11[%dma_wait3A_137, %dma_wait3A_141, %dma_wait3A_142] : memref<4x512x1024xf32, #tpu.memory_space<vmem>> -> memref<1x512x1024xf32, #tpu.memory_space<vmem>>
    %dma_wait3A_144 = tpu.memref_squeeze %dma_wait3A_143 : memref<1x512x1024xf32, #tpu.memory_space<vmem>> -> memref<512x1024xf32, #tpu.memory_space<vmem>>
    %dma_wait3A_145 = arith.constant 1024 : i32
    %dma_wait3A_146 = arith.constant 0 : i32
    %dma_wait3A_147 = tpu.memref_slice %arg6[%arg0, %dma_wait3A_145, %dma_wait3A_146] : memref<8x2048x1024xf32, #tpu.memory_space<any>> -> memref<1x512x1024xf32, #tpu.memory_space<any>>
    %dma_wait3A_148 = tpu.memref_squeeze %dma_wait3A_147 : memref<1x512x1024xf32, #tpu.memory_space<any>> -> memref<512x1024xf32, #tpu.memory_space<any>>
    tpu.wait_dma2 semaphore(%dma_wait3A_140 : memref<!tpu.dma_semaphore, #tpu.memory_space<semaphore_mem>>) src(%dma_wait3A_148 : memref<512x1024xf32, #tpu.memory_space<any>>) dst(%dma_wait3A_144 : memref<512x1024xf32, #tpu.memory_space<vmem>>)
    %get3A_149 = arith.constant 2 : index
    %get3A_150 = arith.constant 0 : index
    %get3A_151 = arith.constant 0 : index
    %get3A_152 = vector.load %arg10[%get3A_149, %get3A_150, %get3A_151] : memref<4x1024x512xf32, #tpu.memory_space<vmem>>, vector<1x1024x512xf32>
    %get3A_153 = vector.shape_cast %get3A_152 : vector<1x1024x512xf32> to vector<1024x512xf32>
    %convert_element_type3A_154 = arith.truncf %get3A_153 : vector<1024x512xf32> to vector<1024x512xbf16>
    %get3A_155 = arith.constant 2 : index
    %get3A_156 = arith.constant 0 : index
    %get3A_157 = arith.constant 0 : index
    %get3A_158 = vector.load %arg11[%get3A_155, %get3A_156, %get3A_157] : memref<4x512x1024xf32, #tpu.memory_space<vmem>>, vector<1x512x1024xf32>
    %get3A_159 = vector.shape_cast %get3A_158 : vector<1x512x1024xf32> to vector<512x1024xf32>
    %convert_element_type3A_160 = arith.truncf %get3A_159 : vector<512x1024xf32> to vector<512x1024xbf16>
    %get3A_161 = arith.index_cast %arg0 : i32 to index
    %get3A_162 = arith.constant 0 : index
    %get3A_163 = arith.constant 1024 : index
    %get3A_164 = vector.load %arg5[%get3A_161, %get3A_162, %get3A_163] : memref<8x1x2048xf32, #tpu.memory_space<vmem>>, vector<1x1x512xf32>
    %get3A_165 = vector.shape_cast %get3A_164 : vector<1x1x512xf32> to vector<1x512xf32>
    %get3A_166 = arith.index_cast %arg0 : i32 to index
    %get3A_167 = memref.load %arg1[%get3A_166] : memref<8xi32, #tpu.memory_space<smem>>
    %get3A_168 = arith.index_cast %arg0 : i32 to index
    %get3A_169 = memref.load %arg2[%get3A_168] : memref<8xi32, #tpu.memory_space<smem>>
    %while3A_170 = arith.constant 0 : i32
    %while3A_171 = arith.constant 0 : i32
    %while3A_172 = arith.subi %get3A_167, %while3A_170 : i32
    %while3A_173 = arith.addi %while3A_170, %while3A_172 : i32
    %while3A_174 = arith.constant 1 : i32
    %while3A_175 = arith.divsi %while3A_172, %while3A_174 : i32
    %while3A_176 = arith.muli %while3A_175, %while3A_174 : i32
    %while3A_177 = arith.addi %while3A_170, %while3A_176 : i32
    %while3A_178 = arith.constant 1 : i32
    %while3A_179 = scf.for %while3A_253 = %while3A_170 to %while3A_177 step %while3A_178 iter_args(%while3A_254 = %while3A_171) -> (i32)  : i32 {
      %add3A_255 = arith.addi %get3A_169, %while3A_253 : i32
      %mul3A = arith.constant 128 : i32
      %mul3A_256 = arith.muli %add3A_255, %mul3A : i32
      %get3A_257 = arith.index_cast %mul3A_256 : i32 to index
      %get3A_258 = arith.constant 0 : index
      %get3A_259 = vector.load %arg3[%get3A_257, %get3A_258] : memref<3072x1024xf32, #tpu.memory_space<vmem>>, vector<128x1024xf32>
      %convert_element_type3A_260 = arith.truncf %get3A_259 : vector<128x1024xf32> to vector<128x1024xbf16>
      %dot_general3A = arith.constant dense<0.000000e+00> : vector<128x512xf32>
      %dot_general3A_261 = tpu.matmul %convert_element_type3A_260, %convert_element_type3A_154, %dot_general3A {dimension_numbers = #tpu.dot_dimension_numbers<[1], [0], [0], [1], [0, 0, 1, 1], [], []>, transpose_lhs_hint = false} : vector<128x1024xbf16>, vector<1024x512xbf16>, vector<128x512xf32> -> vector<128x512xf32>
      %add3A_262 = vector.broadcast %get3A_165 : vector<1x512xf32> to vector<128x512xf32>
      %add3A_263 = arith.addf %dot_general3A_261, %add3A_262 : vector<128x512xf32>
      %mul3A_264 = arith.constant 5.000000e-01 : f32
      %mul3A_265 = vector.broadcast %mul3A_264 : f32 to vector<128x512xf32>
      %mul3A_266 = arith.mulf %mul3A_265, %add3A_263 : vector<128x512xf32>
      %mul3A_267 = arith.constant 0.707106769 : f32
      %mul3A_268 = vector.broadcast %mul3A_267 : f32 to vector<128x512xf32>
      %mul3A_269 = arith.mulf %add3A_263, %mul3A_268 : vector<128x512xf32>
      %erf3A = math.erf %mul3A_269 : vector<128x512xf32>
      %add3A_270 = arith.constant 1.000000e+00 : f32
      %add3A_271 = vector.broadcast %add3A_270 : f32 to vector<128x512xf32>
      %add3A_272 = arith.addf %add3A_271, %erf3A : vector<128x512xf32>
      %mul3A_273 = arith.mulf %mul3A_266, %add3A_272 : vector<128x512xf32>
      %convert_element_type3A_274 = arith.truncf %mul3A_273 : vector<128x512xf32> to vector<128x512xbf16>
      %dot_general3A_275 = arith.constant dense<0.000000e+00> : vector<128x1024xf32>
      %dot_general3A_276 = tpu.matmul %convert_element_type3A_274, %convert_element_type3A_160, %dot_general3A_275 {dimension_numbers = #tpu.dot_dimension_numbers<[1], [0], [0], [1], [0, 0, 1, 1], [], []>, transpose_lhs_hint = false} : vector<128x512xbf16>, vector<512x1024xbf16>, vector<128x1024xf32> -> vector<128x1024xf32>
      %get3A_277 = arith.index_cast %mul3A_256 : i32 to index
      %get3A_278 = arith.constant 0 : index
      %get3A_279 = vector.load %arg9[%get3A_277, %get3A_278] : memref<3072x1024xf32, #tpu.memory_space<vmem>>, vector<128x1024xf32>
      %add3A_280 = arith.addf %get3A_279, %dot_general3A_276 : vector<128x1024xf32>
      %swap3A = arith.index_cast %mul3A_256 : i32 to index
      %swap3A_281 = arith.constant 0 : index
      %swap3A_282 = vector.load %arg9[%swap3A, %swap3A_281] : memref<3072x1024xf32, #tpu.memory_space<vmem>>, vector<128x1024xf32>
      tpu.vector_store %arg9[%swap3A, %swap3A_281], %add3A_280 {strides = array<i32>} : memref<3072x1024xf32, #tpu.memory_space<vmem>>, vector<128x1024xf32>,
      %while3A_283 = arith.constant 0 : i32
      scf.yield %while3A_283 : i32
    }
    %while3A_180 = arith.constant 1 : i32
    %while3A_181 = scf.for %while3A_253 = %while3A_177 to %while3A_173 step %while3A_180 iter_args(%while3A_254 = %while3A_179) -> (i32)  : i32 {
      %add3A_255 = arith.addi %get3A_169, %while3A_253 : i32
      %mul3A = arith.constant 128 : i32
      %mul3A_256 = arith.muli %add3A_255, %mul3A : i32
      %get3A_257 = arith.index_cast %mul3A_256 : i32 to index
      %get3A_258 = arith.constant 0 : index
      %get3A_259 = vector.load %arg3[%get3A_257, %get3A_258] : memref<3072x1024xf32, #tpu.memory_space<vmem>>, vector<128x1024xf32>
      %convert_element_type3A_260 = arith.truncf %get3A_259 : vector<128x1024xf32> to vector<128x1024xbf16>
      %dot_general3A = arith.constant dense<0.000000e+00> : vector<128x512xf32>
      %dot_general3A_261 = tpu.matmul %convert_element_type3A_260, %convert_element_type3A_154, %dot_general3A {dimension_numbers = #tpu.dot_dimension_numbers<[1], [0], [0], [1], [0, 0, 1, 1], [], []>, transpose_lhs_hint = false} : vector<128x1024xbf16>, vector<1024x512xbf16>, vector<128x512xf32> -> vector<128x512xf32>
      %add3A_262 = vector.broadcast %get3A_165 : vector<1x512xf32> to vector<128x512xf32>
      %add3A_263 = arith.addf %dot_general3A_261, %add3A_262 : vector<128x512xf32>
      %mul3A_264 = arith.constant 5.000000e-01 : f32
      %mul3A_265 = vector.broadcast %mul3A_264 : f32 to vector<128x512xf32>
      %mul3A_266 = arith.mulf %mul3A_265, %add3A_263 : vector<128x512xf32>
      %mul3A_267 = arith.constant 0.707106769 : f32
      %mul3A_268 = vector.broadcast %mul3A_267 : f32 to vector<128x512xf32>
      %mul3A_269 = arith.mulf %add3A_263, %mul3A_268 : vector<128x512xf32>
      %erf3A = math.erf %mul3A_269 : vector<128x512xf32>
      %add3A_270 = arith.constant 1.000000e+00 : f32
      %add3A_271 = vector.broadcast %add3A_270 : f32 to vector<128x512xf32>
      %add3A_272 = arith.addf %add3A_271, %erf3A : vector<128x512xf32>
      %mul3A_273 = arith.mulf %mul3A_266, %add3A_272 : vector<128x512xf32>
      %convert_element_type3A_274 = arith.truncf %mul3A_273 : vector<128x512xf32> to vector<128x512xbf16>
      %dot_general3A_275 = arith.constant dense<0.000000e+00> : vector<128x1024xf32>
      %dot_general3A_276 = tpu.matmul %convert_element_type3A_274, %convert_element_type3A_160, %dot_general3A_275 {dimension_numbers = #tpu.dot_dimension_numbers<[1], [0], [0], [1], [0, 0, 1, 1], [], []>, transpose_lhs_hint = false} : vector<128x512xbf16>, vector<512x1024xbf16>, vector<128x1024xf32> -> vector<128x1024xf32>
      %get3A_277 = arith.index_cast %mul3A_256 : i32 to index
      %get3A_278 = arith.constant 0 : index
      %get3A_279 = vector.load %arg9[%get3A_277, %get3A_278] : memref<3072x1024xf32, #tpu.memory_space<vmem>>, vector<128x1024xf32>
      %add3A_280 = arith.addf %get3A_279, %dot_general3A_276 : vector<128x1024xf32>
      %swap3A = arith.index_cast %mul3A_256 : i32 to index
      %swap3A_281 = arith.constant 0 : index
      %swap3A_282 = vector.load %arg9[%swap3A, %swap3A_281] : memref<3072x1024xf32, #tpu.memory_space<vmem>>, vector<128x1024xf32>
      tpu.vector_store %arg9[%swap3A, %swap3A_281], %add3A_280 {strides = array<i32>} : memref<3072x1024xf32, #tpu.memory_space<vmem>>, vector<128x1024xf32>,
      %while3A_283 = arith.constant 0 : i32
      scf.yield %while3A_283 : i32
    }
    %add3A_182 = arith.constant 1 : i32
    %add3A_183 = arith.addi %arg0, %add3A_182 : i32
    %lt3A_184 = arith.constant 8 : i32
    %lt3A_185 = arith.cmpi slt, %add3A_183, %lt3A_184 : i32
    %convert_element_type3A_186 = arith.extui %lt3A_185 : i1 to i32
    %cond3A_187 = arith.constant 0 : i32
    %cond3A_188 = arith.cmpi ne, %convert_element_type3A_186, %cond3A_187 : i32
    scf.if %cond3A_188 {
      %add3A_253 = arith.constant 1 : i32
      %add3A_254 = arith.addi %arg0, %add3A_253 : i32
      %dma_start3A = arith.constant 2 : i32
      %dma_start3A_255 = arith.constant 2 : i32
      %dma_start3A_256 = tpu.memref_slice %arg12[%dma_start3A_255] : memref<4x!tpu.dma_semaphore, #tpu.memory_space<semaphore_mem>> -> memref<1x!tpu.dma_semaphore, #tpu.memory_space<semaphore_mem>>
      %dma_start3A_257 = tpu.memref_squeeze %dma_start3A_256 : memref<1x!tpu.dma_semaphore, #tpu.memory_space<semaphore_mem>> -> memref<!tpu.dma_semaphore, #tpu.memory_space<semaphore_mem>>
      %dma_start3A_258 = arith.constant 0 : i32
      %dma_start3A_259 = arith.constant 0 : i32
      %dma_start3A_260 = tpu.memref_slice %arg10[%dma_start3A, %dma_start3A_258, %dma_start3A_259] : memref<4x1024x512xf32, #tpu.memory_space<vmem>> -> memref<1x1024x512xf32, #tpu.memory_space<vmem>>
      %dma_start3A_261 = tpu.memref_squeeze %dma_start3A_260 : memref<1x1024x512xf32, #tpu.memory_space<vmem>> -> memref<1024x512xf32, #tpu.memory_space<vmem>>
      %dma_start3A_262 = arith.constant 0 : i32
      %dma_start3A_263 = arith.constant 1024 : i32
      %dma_start3A_264 = tpu.memref_slice %arg4[%add3A_254, %dma_start3A_262, %dma_start3A_263] : memref<8x1024x2048xf32, #tpu.memory_space<any>> -> memref<1x1024x512xf32, #tpu.memory_space<any>>
      %dma_start3A_265 = tpu.memref_squeeze %dma_start3A_264 : memref<1x1024x512xf32, #tpu.memory_space<any>> -> memref<1024x512xf32, #tpu.memory_space<any>>
      tpu.enqueue_dma source(%dma_start3A_265 : memref<1024x512xf32, #tpu.memory_space<any>>) target(%dma_start3A_261 : memref<1024x512xf32, #tpu.memory_space<vmem>>) target_semaphore(%dma_start3A_257 : memref<!tpu.dma_semaphore, #tpu.memory_space<semaphore_mem>>)
      %add3A_266 = arith.constant 1 : i32
      %add3A_267 = arith.addi %arg0, %add3A_266 : i32
      %dma_start3A_268 = arith.constant 2 : i32
      %dma_start3A_269 = arith.constant 2 : i32
      %dma_start3A_270 = tpu.memref_slice %arg13[%dma_start3A_269] : memref<4x!tpu.dma_semaphore, #tpu.memory_space<semaphore_mem>> -> memref<1x!tpu.dma_semaphore, #tpu.memory_space<semaphore_mem>>
      %dma_start3A_271 = tpu.memref_squeeze %dma_start3A_270 : memref<1x!tpu.dma_semaphore, #tpu.memory_space<semaphore_mem>> -> memref<!tpu.dma_semaphore, #tpu.memory_space<semaphore_mem>>
      %dma_start3A_272 = arith.constant 0 : i32
      %dma_start3A_273 = arith.constant 0 : i32
      %dma_start3A_274 = tpu.memref_slice %arg11[%dma_start3A_268, %dma_start3A_272, %dma_start3A_273] : memref<4x512x1024xf32, #tpu.memory_space<vmem>> -> memref<1x512x1024xf32, #tpu.memory_space<vmem>>
      %dma_start3A_275 = tpu.memref_squeeze %dma_start3A_274 : memref<1x512x1024xf32, #tpu.memory_space<vmem>> -> memref<512x1024xf32, #tpu.memory_space<vmem>>
      %dma_start3A_276 = arith.constant 1024 : i32
      %dma_start3A_277 = arith.constant 0 : i32
      %dma_start3A_278 = tpu.memref_slice %arg6[%add3A_267, %dma_start3A_276, %dma_start3A_277] : memref<8x2048x1024xf32, #tpu.memory_space<any>> -> memref<1x512x1024xf32, #tpu.memory_space<any>>
      %dma_start3A_279 = tpu.memref_squeeze %dma_start3A_278 : memref<1x512x1024xf32, #tpu.memory_space<any>> -> memref<512x1024xf32, #tpu.memory_space<any>>
      tpu.enqueue_dma source(%dma_start3A_279 : memref<512x1024xf32, #tpu.memory_space<any>>) target(%dma_start3A_275 : memref<512x1024xf32, #tpu.memory_space<vmem>>) target_semaphore(%dma_start3A_271 : memref<!tpu.dma_semaphore, #tpu.memory_space<semaphore_mem>>)
    } else {
    }
    %dma_wait3A_189 = arith.constant 3 : i32
    %dma_wait3A_190 = arith.constant 3 : i32
    %dma_wait3A_191 = tpu.memref_slice %arg12[%dma_wait3A_190] : memref<4x!tpu.dma_semaphore, #tpu.memory_space<semaphore_mem>> -> memref<1x!tpu.dma_semaphore, #tpu.memory_space<semaphore_mem>>
    %dma_wait3A_192 = tpu.memref_squeeze %dma_wait3A_191 : memref<1x!tpu.dma_semaphore, #tpu.memory_space<semaphore_mem>> -> memref<!tpu.dma_semaphore, #tpu.memory_space<semaphore_mem>>
    %dma_wait3A_193 = arith.constant 0 : i32
    %dma_wait3A_194 = arith.constant 0 : i32
    %dma_wait3A_195 = tpu.memref_slice %arg10[%dma_wait3A_189, %dma_wait3A_193, %dma_wait3A_194] : memref<4x1024x512xf32, #tpu.memory_space<vmem>> -> memref<1x1024x512xf32, #tpu.memory_space<vmem>>
    %dma_wait3A_196 = tpu.memref_squeeze %dma_wait3A_195 : memref<1x1024x512xf32, #tpu.memory_space<vmem>> -> memref<1024x512xf32, #tpu.memory_space<vmem>>
    %dma_wait3A_197 = arith.constant 0 : i32
    %dma_wait3A_198 = arith.constant 1536 : i32
    %dma_wait3A_199 = tpu.memref_slice %arg4[%arg0, %dma_wait3A_197, %dma_wait3A_198] : memref<8x1024x2048xf32, #tpu.memory_space<any>> -> memref<1x1024x512xf32, #tpu.memory_space<any>>
    %dma_wait3A_200 = tpu.memref_squeeze %dma_wait3A_199 : memref<1x1024x512xf32, #tpu.memory_space<any>> -> memref<1024x512xf32, #tpu.memory_space<any>>
    tpu.wait_dma2 semaphore(%dma_wait3A_192 : memref<!tpu.dma_semaphore, #tpu.memory_space<semaphore_mem>>) src(%dma_wait3A_200 : memref<1024x512xf32, #tpu.memory_space<any>>) dst(%dma_wait3A_196 : memref<1024x512xf32, #tpu.memory_space<vmem>>)
    %dma_wait3A_201 = arith.constant 3 : i32
    %dma_wait3A_202 = arith.constant 3 : i32
    %dma_wait3A_203 = tpu.memref_slice %arg13[%dma_wait3A_202] : memref<4x!tpu.dma_semaphore, #tpu.memory_space<semaphore_mem>> -> memref<1x!tpu.dma_semaphore, #tpu.memory_space<semaphore_mem>>
    %dma_wait3A_204 = tpu.memref_squeeze %dma_wait3A_203 : memref<1x!tpu.dma_semaphore, #tpu.memory_space<semaphore_mem>> -> memref<!tpu.dma_semaphore, #tpu.memory_space<semaphore_mem>>
    %dma_wait3A_205 = arith.constant 0 : i32
    %dma_wait3A_206 = arith.constant 0 : i32
    %dma_wait3A_207 = tpu.memref_slice %arg11[%dma_wait3A_201, %dma_wait3A_205, %dma_wait3A_206] : memref<4x512x1024xf32, #tpu.memory_space<vmem>> -> memref<1x512x1024xf32, #tpu.memory_space<vmem>>
    %dma_wait3A_208 = tpu.memref_squeeze %dma_wait3A_207 : memref<1x512x1024xf32, #tpu.memory_space<vmem>> -> memref<512x1024xf32, #tpu.memory_space<vmem>>
    %dma_wait3A_209 = arith.constant 1536 : i32
    %dma_wait3A_210 = arith.constant 0 : i32
    %dma_wait3A_211 = tpu.memref_slice %arg6[%arg0, %dma_wait3A_209, %dma_wait3A_210] : memref<8x2048x1024xf32, #tpu.memory_space<any>> -> memref<1x512x1024xf32, #tpu.memory_space<any>>
    %dma_wait3A_212 = tpu.memref_squeeze %dma_wait3A_211 : memref<1x512x1024xf32, #tpu.memory_space<any>> -> memref<512x1024xf32, #tpu.memory_space<any>>
    tpu.wait_dma2 semaphore(%dma_wait3A_204 : memref<!tpu.dma_semaphore, #tpu.memory_space<semaphore_mem>>) src(%dma_wait3A_212 : memref<512x1024xf32, #tpu.memory_space<any>>) dst(%dma_wait3A_208 : memref<512x1024xf32, #tpu.memory_space<vmem>>)
    %get3A_213 = arith.constant 3 : index
    %get3A_214 = arith.constant 0 : index
    %get3A_215 = arith.constant 0 : index
    %get3A_216 = vector.load %arg10[%get3A_213, %get3A_214, %get3A_215] : memref<4x1024x512xf32, #tpu.memory_space<vmem>>, vector<1x1024x512xf32>
    %get3A_217 = vector.shape_cast %get3A_216 : vector<1x1024x512xf32> to vector<1024x512xf32>
    %convert_element_type3A_218 = arith.truncf %get3A_217 : vector<1024x512xf32> to vector<1024x512xbf16>
    %get3A_219 = arith.constant 3 : index
    %get3A_220 = arith.constant 0 : index
    %get3A_221 = arith.constant 0 : index
    %get3A_222 = vector.load %arg11[%get3A_219, %get3A_220, %get3A_221] : memref<4x512x1024xf32, #tpu.memory_space<vmem>>, vector<1x512x1024xf32>
    %get3A_223 = vector.shape_cast %get3A_222 : vector<1x512x1024xf32> to vector<512x1024xf32>
    %convert_element_type3A_224 = arith.truncf %get3A_223 : vector<512x1024xf32> to vector<512x1024xbf16>
    %get3A_225 = arith.index_cast %arg0 : i32 to index
    %get3A_226 = arith.constant 0 : index
    %get3A_227 = arith.constant 1536 : index
    %get3A_228 = vector.load %arg5[%get3A_225, %get3A_226, %get3A_227] : memref<8x1x2048xf32, #tpu.memory_space<vmem>>, vector<1x1x512xf32>
    %get3A_229 = vector.shape_cast %get3A_228 : vector<1x1x512xf32> to vector<1x512xf32>
    %get3A_230 = arith.index_cast %arg0 : i32 to index
    %get3A_231 = memref.load %arg1[%get3A_230] : memref<8xi32, #tpu.memory_space<smem>>
    %get3A_232 = arith.index_cast %arg0 : i32 to index
    %get3A_233 = memref.load %arg2[%get3A_232] : memref<8xi32, #tpu.memory_space<smem>>
    %while3A_234 = arith.constant 0 : i32
    %while3A_235 = arith.constant 0 : i32
    %while3A_236 = arith.subi %get3A_231, %while3A_234 : i32
    %while3A_237 = arith.addi %while3A_234, %while3A_236 : i32
    %while3A_238 = arith.constant 1 : i32
    %while3A_239 = arith.divsi %while3A_236, %while3A_238 : i32
    %while3A_240 = arith.muli %while3A_239, %while3A_238 : i32
    %while3A_241 = arith.addi %while3A_234, %while3A_240 : i32
    %while3A_242 = arith.constant 1 : i32
    %while3A_243 = scf.for %while3A_253 = %while3A_234 to %while3A_241 step %while3A_242 iter_args(%while3A_254 = %while3A_235) -> (i32)  : i32 {
      %add3A_255 = arith.addi %get3A_233, %while3A_253 : i32
      %mul3A = arith.constant 128 : i32
      %mul3A_256 = arith.muli %add3A_255, %mul3A : i32
      %get3A_257 = arith.index_cast %mul3A_256 : i32 to index
      %get3A_258 = arith.constant 0 : index
      %get3A_259 = vector.load %arg3[%get3A_257, %get3A_258] : memref<3072x1024xf32, #tpu.memory_space<vmem>>, vector<128x1024xf32>
      %convert_element_type3A_260 = arith.truncf %get3A_259 : vector<128x1024xf32> to vector<128x1024xbf16>
      %dot_general3A = arith.constant dense<0.000000e+00> : vector<128x512xf32>
      %dot_general3A_261 = tpu.matmul %convert_element_type3A_260, %convert_element_type3A_218, %dot_general3A {dimension_numbers = #tpu.dot_dimension_numbers<[1], [0], [0], [1], [0, 0, 1, 1], [], []>, transpose_lhs_hint = false} : vector<128x1024xbf16>, vector<1024x512xbf16>, vector<128x512xf32> -> vector<128x512xf32>
      %add3A_262 = vector.broadcast %get3A_229 : vector<1x512xf32> to vector<128x512xf32>
      %add3A_263 = arith.addf %dot_general3A_261, %add3A_262 : vector<128x512xf32>
      %mul3A_264 = arith.constant 5.000000e-01 : f32
      %mul3A_265 = vector.broadcast %mul3A_264 : f32 to vector<128x512xf32>
      %mul3A_266 = arith.mulf %mul3A_265, %add3A_263 : vector<128x512xf32>
      %mul3A_267 = arith.constant 0.707106769 : f32
      %mul3A_268 = vector.broadcast %mul3A_267 : f32 to vector<128x512xf32>
      %mul3A_269 = arith.mulf %add3A_263, %mul3A_268 : vector<128x512xf32>
      %erf3A = math.erf %mul3A_269 : vector<128x512xf32>
      %add3A_270 = arith.constant 1.000000e+00 : f32
      %add3A_271 = vector.broadcast %add3A_270 : f32 to vector<128x512xf32>
      %add3A_272 = arith.addf %add3A_271, %erf3A : vector<128x512xf32>
      %mul3A_273 = arith.mulf %mul3A_266, %add3A_272 : vector<128x512xf32>
      %convert_element_type3A_274 = arith.truncf %mul3A_273 : vector<128x512xf32> to vector<128x512xbf16>
      %dot_general3A_275 = arith.constant dense<0.000000e+00> : vector<128x1024xf32>
      %dot_general3A_276 = tpu.matmul %convert_element_type3A_274, %convert_element_type3A_224, %dot_general3A_275 {dimension_numbers = #tpu.dot_dimension_numbers<[1], [0], [0], [1], [0, 0, 1, 1], [], []>, transpose_lhs_hint = false} : vector<128x512xbf16>, vector<512x1024xbf16>, vector<128x1024xf32> -> vector<128x1024xf32>
      %get3A_277 = arith.index_cast %arg0 : i32 to index
      %get3A_278 = arith.constant 0 : index
      %get3A_279 = arith.constant 0 : index
      %get3A_280 = vector.load %arg7[%get3A_277, %get3A_278, %get3A_279] : memref<8x1x1024xf32, #tpu.memory_space<vmem>>, vector<1x1x1024xf32>
      %get3A_281 = vector.shape_cast %get3A_280 : vector<1x1x1024xf32> to vector<1x1024xf32>
      %get3A_282 = arith.index_cast %mul3A_256 : i32 to index
      %get3A_283 = arith.constant 0 : index
      %get3A_284 = vector.load %arg9[%get3A_282, %get3A_283] : memref<3072x1024xf32, #tpu.memory_space<vmem>>, vector<128x1024xf32>
      %add3A_285 = arith.addf %get3A_284, %dot_general3A_276 : vector<128x1024xf32>
      %add3A_286 = vector.broadcast %get3A_281 : vector<1x1024xf32> to vector<128x1024xf32>
      %add3A_287 = arith.addf %add3A_285, %add3A_286 : vector<128x1024xf32>
      %get3A_288 = arith.index_cast %mul3A_256 : i32 to index
      %get3A_289 = arith.constant 0 : index
      %get3A_290 = vector.load %arg8[%get3A_288, %get3A_289] : memref<3072x1xf32, #tpu.memory_space<vmem>>, vector<128x1xf32>
      %mul3A_291 = vector.broadcast %get3A_290 : vector<128x1xf32> to vector<128x1024xf32>
      %mul3A_292 = arith.mulf %add3A_287, %mul3A_291 : vector<128x1024xf32>
      %swap3A = arith.index_cast %mul3A_256 : i32 to index
      %swap3A_293 = arith.constant 0 : index
      %swap3A_294 = vector.load %arg9[%swap3A, %swap3A_293] : memref<3072x1024xf32, #tpu.memory_space<vmem>>, vector<128x1024xf32>
      tpu.vector_store %arg9[%swap3A, %swap3A_293], %mul3A_292 {strides = array<i32>} : memref<3072x1024xf32, #tpu.memory_space<vmem>>, vector<128x1024xf32>,
      %while3A_295 = arith.constant 0 : i32
      scf.yield %while3A_295 : i32
    }
    %while3A_244 = arith.constant 1 : i32
    %while3A_245 = scf.for %while3A_253 = %while3A_241 to %while3A_237 step %while3A_244 iter_args(%while3A_254 = %while3A_243) -> (i32)  : i32 {
      %add3A_255 = arith.addi %get3A_233, %while3A_253 : i32
      %mul3A = arith.constant 128 : i32
      %mul3A_256 = arith.muli %add3A_255, %mul3A : i32
      %get3A_257 = arith.index_cast %mul3A_256 : i32 to index
      %get3A_258 = arith.constant 0 : index
      %get3A_259 = vector.load %arg3[%get3A_257, %get3A_258] : memref<3072x1024xf32, #tpu.memory_space<vmem>>, vector<128x1024xf32>
      %convert_element_type3A_260 = arith.truncf %get3A_259 : vector<128x1024xf32> to vector<128x1024xbf16>
      %dot_general3A = arith.constant dense<0.000000e+00> : vector<128x512xf32>
      %dot_general3A_261 = tpu.matmul %convert_element_type3A_260, %convert_element_type3A_218, %dot_general3A {dimension_numbers = #tpu.dot_dimension_numbers<[1], [0], [0], [1], [0, 0, 1, 1], [], []>, transpose_lhs_hint = false} : vector<128x1024xbf16>, vector<1024x512xbf16>, vector<128x512xf32> -> vector<128x512xf32>
      %add3A_262 = vector.broadcast %get3A_229 : vector<1x512xf32> to vector<128x512xf32>
      %add3A_263 = arith.addf %dot_general3A_261, %add3A_262 : vector<128x512xf32>
      %mul3A_264 = arith.constant 5.000000e-01 : f32
      %mul3A_265 = vector.broadcast %mul3A_264 : f32 to vector<128x512xf32>
      %mul3A_266 = arith.mulf %mul3A_265, %add3A_263 : vector<128x512xf32>
      %mul3A_267 = arith.constant 0.707106769 : f32
      %mul3A_268 = vector.broadcast %mul3A_267 : f32 to vector<128x512xf32>
      %mul3A_269 = arith.mulf %add3A_263, %mul3A_268 : vector<128x512xf32>
      %erf3A = math.erf %mul3A_269 : vector<128x512xf32>
      %add3A_270 = arith.constant 1.000000e+00 : f32
      %add3A_271 = vector.broadcast %add3A_270 : f32 to vector<128x512xf32>
      %add3A_272 = arith.addf %add3A_271, %erf3A : vector<128x512xf32>
      %mul3A_273 = arith.mulf %mul3A_266, %add3A_272 : vector<128x512xf32>
      %convert_element_type3A_274 = arith.truncf %mul3A_273 : vector<128x512xf32> to vector<128x512xbf16>
      %dot_general3A_275 = arith.constant dense<0.000000e+00> : vector<128x1024xf32>
      %dot_general3A_276 = tpu.matmul %convert_element_type3A_274, %convert_element_type3A_224, %dot_general3A_275 {dimension_numbers = #tpu.dot_dimension_numbers<[1], [0], [0], [1], [0, 0, 1, 1], [], []>, transpose_lhs_hint = false} : vector<128x512xbf16>, vector<512x1024xbf16>, vector<128x1024xf32> -> vector<128x1024xf32>
      %get3A_277 = arith.index_cast %arg0 : i32 to index
      %get3A_278 = arith.constant 0 : index
      %get3A_279 = arith.constant 0 : index
      %get3A_280 = vector.load %arg7[%get3A_277, %get3A_278, %get3A_279] : memref<8x1x1024xf32, #tpu.memory_space<vmem>>, vector<1x1x1024xf32>
      %get3A_281 = vector.shape_cast %get3A_280 : vector<1x1x1024xf32> to vector<1x1024xf32>
      %get3A_282 = arith.index_cast %mul3A_256 : i32 to index
      %get3A_283 = arith.constant 0 : index
      %get3A_284 = vector.load %arg9[%get3A_282, %get3A_283] : memref<3072x1024xf32, #tpu.memory_space<vmem>>, vector<128x1024xf32>
      %add3A_285 = arith.addf %get3A_284, %dot_general3A_276 : vector<128x1024xf32>
      %add3A_286 = vector.broadcast %get3A_281 : vector<1x1024xf32> to vector<128x1024xf32>
      %add3A_287 = arith.addf %add3A_285, %add3A_286 : vector<128x1024xf32>
      %get3A_288 = arith.index_cast %mul3A_256 : i32 to index
      %get3A_289 = arith.constant 0 : index
      %get3A_290 = vector.load %arg8[%get3A_288, %get3A_289] : memref<3072x1xf32, #tpu.memory_space<vmem>>, vector<128x1xf32>
      %mul3A_291 = vector.broadcast %get3A_290 : vector<128x1xf32> to vector<128x1024xf32>
      %mul3A_292 = arith.mulf %add3A_287, %mul3A_291 : vector<128x1024xf32>
      %swap3A = arith.index_cast %mul3A_256 : i32 to index
      %swap3A_293 = arith.constant 0 : index
      %swap3A_294 = vector.load %arg9[%swap3A, %swap3A_293] : memref<3072x1024xf32, #tpu.memory_space<vmem>>, vector<128x1024xf32>
      tpu.vector_store %arg9[%swap3A, %swap3A_293], %mul3A_292 {strides = array<i32>} : memref<3072x1024xf32, #tpu.memory_space<vmem>>, vector<128x1024xf32>,
      %while3A_295 = arith.constant 0 : i32
      scf.yield %while3A_295 : i32
    }
    %add3A_246 = arith.constant 1 : i32
    %add3A_247 = arith.addi %arg0, %add3A_246 : i32
    %lt3A_248 = arith.constant 8 : i32
    %lt3A_249 = arith.cmpi slt, %add3A_247, %lt3A_248 : i32
    %convert_element_type3A_250 = arith.extui %lt3A_249 : i1 to i32
    %cond3A_251 = arith.constant 0 : i32
    %cond3A_252 = arith.cmpi ne, %convert_element_type3A_250, %cond3A_251 : i32
    scf.if %cond3A_252 {
      %add3A_253 = arith.constant 1 : i32
      %add3A_254 = arith.addi %arg0, %add3A_253 : i32
      %dma_start3A = arith.constant 3 : i32
      %dma_start3A_255 = arith.constant 3 : i32
      %dma_start3A_256 = tpu.memref_slice %arg12[%dma_start3A_255] : memref<4x!tpu.dma_semaphore, #tpu.memory_space<semaphore_mem>> -> memref<1x!tpu.dma_semaphore, #tpu.memory_space<semaphore_mem>>
      %dma_start3A_257 = tpu.memref_squeeze %dma_start3A_256 : memref<1x!tpu.dma_semaphore, #tpu.memory_space<semaphore_mem>> -> memref<!tpu.dma_semaphore, #tpu.memory_space<semaphore_mem>>
      %dma_start3A_258 = arith.constant 0 : i32
      %dma_start3A_259 = arith.constant 0 : i32
      %dma_start3A_260 = tpu.memref_slice %arg10[%dma_start3A, %dma_start3A_258, %dma_start3A_259] : memref<4x1024x512xf32, #tpu.memory_space<vmem>> -> memref<1x1024x512xf32, #tpu.memory_space<vmem>>
      %dma_start3A_261 = tpu.memref_squeeze %dma_start3A_260 : memref<1x1024x512xf32, #tpu.memory_space<vmem>> -> memref<1024x512xf32, #tpu.memory_space<vmem>>
      %dma_start3A_262 = arith.constant 0 : i32
      %dma_start3A_263 = arith.constant 1536 : i32
      %dma_start3A_264 = tpu.memref_slice %arg4[%add3A_254, %dma_start3A_262, %dma_start3A_263] : memref<8x1024x2048xf32, #tpu.memory_space<any>> -> memref<1x1024x512xf32, #tpu.memory_space<any>>
      %dma_start3A_265 = tpu.memref_squeeze %dma_start3A_264 : memref<1x1024x512xf32, #tpu.memory_space<any>> -> memref<1024x512xf32, #tpu.memory_space<any>>
      tpu.enqueue_dma source(%dma_start3A_265 : memref<1024x512xf32, #tpu.memory_space<any>>) target(%dma_start3A_261 : memref<1024x512xf32, #tpu.memory_space<vmem>>) target_semaphore(%dma_start3A_257 : memref<!tpu.dma_semaphore, #tpu.memory_space<semaphore_mem>>)
      %add3A_266 = arith.constant 1 : i32
      %add3A_267 = arith.addi %arg0, %add3A_266 : i32
      %dma_start3A_268 = arith.constant 3 : i32
      %dma_start3A_269 = arith.constant 3 : i32
      %dma_start3A_270 = tpu.memref_slice %arg13[%dma_start3A_269] : memref<4x!tpu.dma_semaphore, #tpu.memory_space<semaphore_mem>> -> memref<1x!tpu.dma_semaphore, #tpu.memory_space<semaphore_mem>>
      %dma_start3A_271 = tpu.memref_squeeze %dma_start3A_270 : memref<1x!tpu.dma_semaphore, #tpu.memory_space<semaphore_mem>> -> memref<!tpu.dma_semaphore, #tpu.memory_space<semaphore_mem>>
      %dma_start3A_272 = arith.constant 0 : i32
      %dma_start3A_273 = arith.constant 0 : i32
      %dma_start3A_274 = tpu.memref_slice %arg11[%dma_start3A_268, %dma_start3A_272, %dma_start3A_273] : memref<4x512x1024xf32, #tpu.memory_space<vmem>> -> memref<1x512x1024xf32, #tpu.memory_space<vmem>>
      %dma_start3A_275 = tpu.memref_squeeze %dma_start3A_274 : memref<1x512x1024xf32, #tpu.memory_space<vmem>> -> memref<512x1024xf32, #tpu.memory_space<vmem>>
      %dma_start3A_276 = arith.constant 1536 : i32
      %dma_start3A_277 = arith.constant 0 : i32
      %dma_start3A_278 = tpu.memref_slice %arg6[%add3A_267, %dma_start3A_276, %dma_start3A_277] : memref<8x2048x1024xf32, #tpu.memory_space<any>> -> memref<1x512x1024xf32, #tpu.memory_space<any>>
      %dma_start3A_279 = tpu.memref_squeeze %dma_start3A_278 : memref<1x512x1024xf32, #tpu.memory_space<any>> -> memref<512x1024xf32, #tpu.memory_space<any>>
      tpu.enqueue_dma source(%dma_start3A_279 : memref<512x1024xf32, #tpu.memory_space<any>>) target(%dma_start3A_275 : memref<512x1024xf32, #tpu.memory_space<vmem>>) target_semaphore(%dma_start3A_271 : memref<!tpu.dma_semaphore, #tpu.memory_space<semaphore_mem>>)
    } else {
    }
    return
  }
  func.func @transform_0(%arg0: i32, %arg1: memref<8xi32, #tpu.memory_space<smem>>, %arg2: memref<8xi32, #tpu.memory_space<smem>>) -> (i32, i32) {
    %c0_i32 = arith.constant 0 : i32
    %c0_i32_0 = arith.constant 0 : i32
    %c0_i32_1 = arith.constant 0 : i32
    return %c0_i32, %c0_i32_0 : i32, i32
  }
  func.func @transform_2(%arg0: i32, %arg1: memref<8xi32, #tpu.memory_space<smem>>, %arg2: memref<8xi32, #tpu.memory_space<smem>>) -> (i32, i32, i32) {
    %c0_i32 = arith.constant 0 : i32
    %c0_i32_0 = arith.constant 0 : i32
    %c0_i32_1 = arith.constant 0 : i32
    %c0_i32_2 = arith.constant 0 : i32
    return %c0_i32, %c0_i32_0, %c0_i32_1 : i32, i32, i32
  }
  func.func @transform_4(%arg0: i32, %arg1: memref<8xi32, #tpu.memory_space<smem>>, %arg2: memref<8xi32, #tpu.memory_space<smem>>) -> (i32, i32, i32) {
    %c0_i32 = arith.constant 0 : i32
    %c0_i32_0 = arith.constant 0 : i32
    %c0_i32_1 = arith.constant 0 : i32
    %c0_i32_2 = arith.constant 0 : i32
    return %c0_i32, %c0_i32_0, %c0_i32_1 : i32, i32, i32
  }
  func.func @transform_5(%arg0: i32, %arg1: memref<8xi32, #tpu.memory_space<smem>>, %arg2: memref<8xi32, #tpu.memory_space<smem>>) -> (i32, i32) {
    %c0_i32 = arith.constant 0 : i32
    %c0_i32_0 = arith.constant 0 : i32
    %c0_i32_1 = arith.constant 0 : i32
    return %c0_i32, %c0_i32_0 : i32, i32
  }
  func.func @transform_6(%arg0: i32, %arg1: memref<8xi32, #tpu.memory_space<smem>>, %arg2: memref<8xi32, #tpu.memory_space<smem>>) -> (i32, i32) {
    %c0_i32 = arith.constant 0 : i32
    %c0_i32_0 = arith.constant 0 : i32
    %c0_i32_1 = arith.constant 0 : i32
    return %c0_i32, %c0_i32_0 : i32, i32
  }
}

</mosaic_0001>

<sc_bundles>
// kernel: kernel.6.cloned.1.call-start
scs
__scs_entry_jumppad:
0x0: {  	(pc) =	sbr.rel $0x88, $3  }
0x1: {  	(tag) =	ssettag $0x0;
	lr =	simm.s32 $0x1  }
0x2: {  	[smem:$0x3F9A] =	sst lr;
	_ =	strace $0xD0000000  }
0x3: {  	_ = 	snop  }
0x4: {  	_ = 	snop  }
0x5: {  	_ = 	snop  }
0x6: {  	_ = 	snop  }
0x7: {  	_ = 	snop  }
__scs_overlays_trampoline_lowered:
0x8: {  	[smem:$0x3FA9] =	sst s0  }
0x9: {  	[smem:$0x3FAA] =	sst s1  }
0xa: {  	[smem:$0x3FAB] =	sst s2  }
0xb: {  	[smem:$0x3FAC] =	sst s3  }
0xc: {  	[smem:$0x3FAD] =	sst s4  }
0xd: {  	[smem:$0x3FAE] =	sst s5  }
0xe: {  	[smem:$0x3FAF] =	sst s6  }
0xf: {  	[smem:$0x3FB0] =	sst s7  }
0x10: {  	[smem:$0x3FB1] =	sst s8  }
0x11: {  	[smem:$0x3FB2] =	sst s9;
	s0 =	simm.s32 @!p0 $0x0  }
0x12: {  	s1 =	sld [smem:$0x3F98];
	s0 =	simm.s32 @p0 $0x1  }
0x13: {  	[smem:$0x3FB3] =	sst s0;
	s0 =	simm.s32 @!p1 $0x0  }
0x14: {  	s2 =	sld [smem:$0x3F97];
	s0 =	simm.s32 @p1 $0x1  }
0x15: {  	[smem:$0x3FB4] =	sst s0;
	s0 =	simm.s32 @!p2 $0x0  }
0x16: {  	s3 =	sld [smem:$0x3FDB];
	s0 =	simm.s32 @p2 $0x1  }
0x17: {  	s4 =	simm.s32 $0x1BF5;
	[smem:$0x3FB6] =	sst s0  }
0x18: {  	s0 =	sld [smem:$0x3F99];
	_ =	swait.ge [sflag:s4], $0x0  }
0x19: {  	s7 =	sld [smem:$0x3F9A]  }
0x1a: {  	s8 =	sadd.s32 $0xFFFFE003, lr  }
0x1b: {  	s9 =	sadd.s32 $0xFFFFFEF7, lr;
	s5 =	simm.s32 $0xFFFFFFFF;
	p2 =	slt.u32 s8, $0xFFFFF086  }
0x1c: {  	p1 =	slt.u32 s9, $0xF7A;
	s5 =	simm.s32 @!p2 $0x0  }
0x1d: {  	s5 =	simm.s32 @p1 $0x1;
	p0 =	seq.s32 s7, s2  }
0x1e: {  	s7 =	smul.u32 @!p0 $0xF7A, s2;
	p2 =	seq.s32 @!p0 s5, $0x0  }
0x1f: {  	s9 =	smul.u32 $0xF7A, s1;
	s8 =	simm.s32 @!p0 $0x1BF5;
	p2 =	por !p2, p0  }
0x20: {  	[sflag:s8] =	ssyncset.s32 @!p0 $0xFFFFF086;
	s6 =	sadd.s32 @!p0 s3, s7;
	s7 =	simm.s32 @!p0 $0x108  }
0x21: {  	s3 =	sadd.s32 s3, s9;
	s6 =	sadd.s32 @!p0 $0x88, s6;
	s7 =	simm.s32 @p2 $0x1082  }
0x22: {  	[simem:s7], [sflag:s8] =	dma.local @!p0 [hbm:s6], $0xF7A  }
0x23: {  	s9 =	sor.u32 $0xD0000000, s2;
	s6 =	simm.s32 $0x108;
	_ =	swait.ge @!p0 [sflag:s8], $0x0  }
0x24: {  	s3 =	sadd.s32 $0x88, s3;
	s6 =	simm.s32 @!p1 $0x1082;
	[sflag:s4] =	ssyncset.s32 $0xFFFFF086  }
0x25: {  	[simem:s6], [sflag:s4] =	dma.local [hbm:s3], $0xF7A  }
0x26: {  	[smem:$0x3F9A] =	sst s1;
	(tag) =	ssettag s2;
	_ =	strace s9  }
0x27: {  	s1 =	sld [smem:$0x3FAA]  }
0x28: {  	s2 =	sld [smem:$0x3FAB]  }
0x29: {  	s4 =	sld [smem:$0x3FAD]  }
0x2a: {  	p0 =	seq.s32 s5, $0x0;
	s5 =	sld [smem:$0x3FAE]  }
0x2b: {  	s6 =	sld [smem:$0x3FAF]  }
0x2c: {  	s7 =	sld [smem:$0x3FB0]  }
0x2d: {  	s3 =	simm.s32 $0x108;
	s8 =	sld [smem:$0x3FB1]  }
0x2e: {  	s3 =	simm.s32 @!p0 $0x1082;
	s9 =	sld [smem:$0x3FB2]  }
0x2f: {  	lr =	sadd.s32 s0, s3;
	s0 =	sld [smem:$0x3FA9]  }
0x30: {  	s3 =	sld [smem:$0x3FAC]  }
0x31: {  	[smem:$0x3FB5] =	sst s10  }
0x32: {  	s10 =	sld [smem:$0x3FB3];
	_ =	sdelay $0x3  }
0x33: {  	p0 =	seq.s32 s10, $0x1;
	s10 =	sld [smem:$0x3FB5];
	_ =	sdelay $0x3  }
0x34: {  	[smem:$0x3FB5] =	sst s10  }
0x35: {  	s10 =	sld [smem:$0x3FB4];
	_ =	sdelay $0x3  }
0x36: {  	p1 =	seq.s32 s10, $0x1;
	s10 =	sld [smem:$0x3FB5];
	_ =	sdelay $0x3  }
0x37: {  	[smem:$0x3FB5] =	sst s10  }
0x38: {  	s10 =	sld [smem:$0x3FB6]  }
0x39: {  	_ = 	snop;
	(pc) =	sbr.ind lr, $3  }
0x3a: {  	_ = 	snop  }
0x3b: {  	_ = 	snop  }
0x3c: {  	p2 =	seq.s32 s10, $0x1;
	s10 =	sld [smem:$0x3FB5]  }
0x3d: {  	_ =	shalt  }
0x3e: {  	_ =	shalt  }
0x3f: {  	_ =	shalt  }
0x40: {  	_ =	shalt  }
0x41: {  	_ =	shalt  }
0x42: {  	_ =	shalt  }
0x43: {  	_ =	shalt  }
0x44: {  	_ =	shalt  }
0x45: {  	_ =	shalt  }
0x46: {  	_ =	shalt  }
0x47: {  	_ =	shalt  }
0x48: {  	_ =	shalt  }
0x49: {  	_ =	shalt  }
0x4a: {  	_ =	shalt  }
0x4b: {  	_ =	shalt  }
0x4c: {  	_ =	shalt  }
0x4d: {  	_ =	shalt  }
0x4e: {  	_ =	shalt  }
0x4f: {  	_ =	shalt  }
0x50: {  	_ =	shalt  }
0x51: {  	_ =	shalt  }
0x52: {  	_ =	shalt  }
0x53: {  	_ =	shalt  }
0x54: {  	_ =	shalt  }
0x55: {  	_ =	shalt  }
0x56: {  	_ =	shalt  }
0x57: {  	_ =	shalt  }
0x58: {  	_ =	shalt  }
0x59: {  	_ =	shalt  }
0x5a: {  	_ =	shalt  }
0x5b: {  	_ =	shalt  }
0x5c: {  	_ =	shalt  }
0x5d: {  	_ =	shalt  }
0x5e: {  	_ =	shalt  }
0x5f: {  	_ =	shalt  }
0x60: {  	_ =	shalt  }
0x61: {  	_ =	shalt  }
0x62: {  	_ =	shalt  }
0x63: {  	_ =	shalt  }
0x64: {  	_ =	shalt  }
0x65: {  	_ =	shalt  }
0x66: {  	_ =	shalt  }
0x67: {  	_ =	shalt  }
0x68: {  	_ =	shalt  }
0x69: {  	_ =	shalt  }
0x6a: {  	_ =	shalt  }
0x6b: {  	_ =	shalt  }
0x6c: {  	_ =	shalt  }
0x6d: {  	_ =	shalt  }
0x6e: {  	_ =	shalt  }
0x6f: {  	_ =	shalt  }
0x70: {  	_ =	shalt  }
0x71: {  	_ =	shalt  }
0x72: {  	_ =	shalt  }
0x73: {  	_ =	shalt  }
0x74: {  	_ =	shalt  }
0x75: {  	_ =	shalt  }
0x76: {  	_ =	shalt  }
0x77: {  	_ =	shalt  }
0x78: {  	_ =	shalt  }
0x79: {  	_ =	shalt  }
0x7a: {  	_ =	shalt  }
0x7b: {  	_ =	shalt  }
0x7c: {  	_ =	shalt  }
0x7d: {  	_ =	shalt  }
0x7e: {  	_ =	shalt  }
0x7f: {  	_ =	shalt  }
0x80: {  	_ =	shalt  }
0x81: {  	_ =	shalt  }
0x82: {  	_ =	shalt  }
0x83: {  	_ =	shalt  }
0x84: {  	_ =	shalt  }
0x85: {  	_ =	shalt  }
0x86: {  	_ =	shalt  }
0x87: {  	_ =	shalt  }
.Lfunc_end0:
.L_simem_size_0:
called_computation_lowered:
.L_overlay_start_0:
0x88: {  	s2 =	sld [smem:$0x3FD9]  }
0x89: {  	s3 =	sld [smem:$0x3FFE];
	_ =	sdelay $0x1  }
0x8a: {  	s1 =	srdreg.scid  }
0x8b: {  	s0 =	sand.u32 $0x1, s1  }
0x8c: {  	s17 =	sshll.u32 s0, $0xA;
	s2 =	sadd.s32 s3, s2  }
0x8d: {  	s2 =	sadd.s32 s2, s17  }
0x8e: {  	[smem:$0x3FC1] =	sst s2  }
0x8f: {  	_ = 	snop  }
0x90: {  	s2 =	sld [smem:$0x3FC9];
	(tm) =	ssettm $0x1  }
0x91: {  	s18 =	sld [smem:$0x3FFB];
	_ =	sdelay $0x3  }
0x92: {  	_ =	strace s18  }
0x93: {  	s3 =	sld [smem:$0x3FFC];
	_ =	sdelay $0x3  }
0x94: {  	_ =	strace s3  }
0x95: {  	s3 =	sld [smem:$0x3FFD];
	_ =	sdelay $0x3  }
0x96: {  	_ =	strace s3  }
0x97: {  	_ =	strace $0x8FFFFFFF  }
0x98: {  	s19 =	sld [smem:$0x3FDB];
	_ =	sdelay $0x1  }
0x99: {  	s4 =	simm.s32 $_scs_section_size  }
0x9a: {  	s5 =	simm.s32 $_size__tile_overlayer_lowered;
	s6 =	simm.s32 $_tile_overlayer_lowered  }
0x9b: {  	s22 =	simm.s32 $0x1BFF;
	s21 =	sshll.u32 s6, $0x1;
	s3 =	sadd.s32 s4, s19  }
0x9c: {  	s7 =	simm.s32 $0x0;
	s20 =	sshll.u32 s5, $0x1;
	s5 =	sadd.s32 s21, s3  }
0x9d: {  	[timem:s7], [sflag:s22] =	dma.local [hbm:s5], s20  }
0x9e: {  	_ =	swait.ge [sflag:s22], s20  }
0x9f: {  	s4 =	ssub.s32 $0x0, s20;
	[sflag:s22] =	ssyncset.done $0x0  }
0xa0: {  	[sflag:s22] =	ssyncadd.s32 s4;
	_ =	sdelay $0x1  }
0xa1: {  	s23 =	simm.s32 $0x1B8B  }
0xa2: {  	_ =	swait.ge [sflag:s23], $0x1  }
0xa3: {  	[sflag:s23] =	ssyncset.done $0x0  }
0xa4: {  	s25 =	simm.s32 $0x1B8E;
	s24 =	sld [smem:$0x3FFE];
	[sflag:s23] =	ssyncadd.s32 $0xFFFFFFFF  }
0xa5: {  	s26 =	simm.s32 $execute0_lowered;
	[smem:$0x3FD2] =	sst s25  }
0xa6: {  	s5 =	sshll.u32 s26, $0x1;
	_ =	strace $0x80000046;
	[dreg:$0x1] =	wrdreg $0xFFFFFFFF  }
0xa7: {  	s28 =	simm.s32 $_size_execute0_lowered;
	s3 =	sadd.s32 s3, s5;
	[dreg:$0x0] =	wrdreg $0x0  }
0xa8: {  	s5 =	sshll.u32 s28, $0x1;
	[dreg:$0x2] =	wrdreg s3  }
0xa9: {  	[dreg:$0x3] =	wrdreg s5  }
0xaa: {  	[dreg:$0x4] =	wrdreg $0xC0  }
0xab: {  	_ =	task [dreg:s7], $0x5FFFF  }
0xac: {  	[dreg:$0x1] =	wrdreg $0xFFFFFFFF  }
0xad: {  	[dreg:$0x0] =	wrdreg $0x60  }
0xae: {  	[dreg:$0x2] =	wrdreg s2  }
0xaf: {  	[dreg:$0x3] =	wrdreg s24  }
0xb0: {  	[dreg:$0x4] =	wrdreg $0x9  }
0xb1: {  	_ =	task.clear_ibuf [dreg:s7], $0x5FFFF;
	_ =	strace $0x90000046  }
0xb2: {  	s29 =	simm.s32 $0x9;
	_ =	strace $0x80000048  }
0xb3: {  	_ =	swait.ge [sflag:s29], $0x1  }
0xb4: {  	[sflag:s29] =	ssyncadd.s32 $0xFFFFFFFF  }
0xb5: {  	_ =	strace $0x90000048  }
0xb6: {  	_ =	sfence  }
0xb7: {  	s30 =	sld [smem:$0x0];
	_ =	sdelay $0x2  }
0xb8: {  	s31 =	sshll.u32 s1, $0xD;
	s1 =	sshrl.u32 s1, $0x2  }
0xb9: {  	s3 =	sand.u32 $0x4000, s31;
	s1 =	sadd.s32 s1, s30  }
0xba: {  	s0 =	sor.u32 s3, s0;
	s1 =	sshll.u32 s1, $0x11  }
0xbb: {  	s0 =	sor.u32 s1, s0  }
0xbc: {  	s0 =	sadd.s32 $0x8F2B, s0  }
0xbd: {  	[sflag:s0] =	ssyncadd.remote.s32 $0x1  }
0xbe: {  	_ =	sfence.sel $0xFFFF  }
0xbf: {  	[dreg:$0x0] =	wrdreg $0xFFFFFFFF;
	(pc) =	sbr.abs _section_cstart, $3  }
0xc0: {  	[dreg:$0x1] =	wrdreg $0xFFFFFFFF  }
0xc1: {  	_ =	task.clear_ibuf [dreg:s7], $0x2FFFF;
	_ =	strace $0x9FFFFFFF  }
0xc2: {  	(tm) =	ssettm $0x7FFFFFFF  }
0xc3: {  	_ =	shalt  }
tec
execute0_lowered:
.L_overlay_start_1:
0x0: {  	(tag) =	ssettag $0x1  }
0x1: {  	s2 =	rddreg [dreg:$0x0];
	s1 =	srdreg.scid  }
0x2: {  	s0 =	stileid.u32;
	s4 =	rddreg [dreg:$0x1];
	s3 =	simm.s32 $0x0  }
0x3: {  	s12 =	simm.s32 $0x80;
	s13 =	simm.s32 $0x100;
	s14 =	simm.s32 $0x8A00  }
0x4: {  	s15 =	simm.s32 $0x9200;
	s16 =	simm.s32 $0x9A00;
	s17 =	simm.s32 $0xA200  }
0x5: {  	s18 =	simm.s32 $0xAA00;
	s19 =	simm.s32 $0xB200;
	[smem:$0x7FF] =	sst s3  }
0x6: {  	s20 =	simm.s32 $0xBA00;
	_ =	strace $0x80000047;
	[dreg:$0x9] =	wrdreg s12  }
0x7: {  	s21 =	simm.s32 $0xC200;
	s22 =	simm.s32 $0xCA00;
	[dreg:$0xa] =	wrdreg s13  }
0x8: {  	s23 =	simm.s32 $0xD200;
	s28 =	simm.s32 $0xFA00;
	[dreg:$0xb] =	wrdreg s14  }
0x9: {  	s29 =	simm.s32 $0x1;
	s30 =	simm.s32 $0x3;
	[dreg:$0xc] =	wrdreg s15  }
0xa: {  	s31 =	simm.s32 $0x2;
	s1 =	sand.u32 $0x1, s1;
	[dreg:$0xd] =	wrdreg s16  }
0xb: {  	s5 =	sshll.u32 s0, $0x1;
	s0 =	sadd.s32 $0x200, s4;
	[dreg:$0xe] =	wrdreg s17  }
0xc: {  	s5 =	sor.u32 s1, s5;
	s1 =	ssub.s32 $0x2, s1;
	[dreg:$0xf] =	wrdreg s18  }
0xd: {  	s12 =	simm.s32 $0x1A00;
	s13 =	simm.s32 $0x2200;
	[dreg:$0x10] =	wrdreg s19  }
0xe: {  	s14 =	simm.s32 $0x2A00;
	s15 =	simm.s32 $0x3200;
	[dreg:$0x11] =	wrdreg s20  }
0xf: {  	s16 =	simm.s32 $0x3A00;
	s17 =	simm.s32 $0x4200;
	[dreg:$0x12] =	wrdreg s21  }
0x10: {  	s18 =	simm.s32 $0x4A00;
	s19 =	simm.s32 $0x5200;
	[dreg:$0x13] =	wrdreg s22  }
0x11: {  	s20 =	simm.s32 $0x5A00;
	s21 =	simm.s32 $0x6200;
	[dreg:$0x14] =	wrdreg s23  }
0x12: {  	s22 =	simm.s32 $0x6A00;
	s6 =	smul.u32 $0x60, s5;
	s7 =	sshrl.u32 s1, $0x1  }
0x13: {  	s23 =	simm.s32 $0x7200;
	s5 =	smul.u32 $0x3000, s5;
	s1 =	ssub.s32 s1, s7  }
0x14: {  	s8 =	sshrl.u32 s6, $0x3;
	s9 =	sadd.s32 $0x20, s6;
	s6 =	sadd.s32 $0x40, s6  }
0x15: {  	s5 =	sadd.s32 s0, s5;
	s8 =	sadd.s32 s4, s8;
	s10 =	sshrl.u32 s9, $0x3  }
0x16: {  	s25 =	sshrl.u32 s6, $0x3;
	s9 =	sshll.u32 s9, $0x7;
	[dreg:$0x6] =	wrdreg s5  }
0x17: {  	s6 =	sshll.u32 s6, $0x7;
	s5 =	sadd.s32 $0x200, s2;
	[dreg:$0x3] =	wrdreg s8  }
0x18: {  	s24 =	sadd.s32 s4, s10;
	s26 =	sadd.s32 s4, s25;
	s4 =	sadd.s32 $0x100, s2  }
0x19: {  	s7 =	sadd.s32 s0, s9;
	s11 =	sadd.s32 s0, s6;
	[dreg:$0x4] =	wrdreg s24  }
0x1a: {  	s6 =	sadd.s32 $0x300, s2;
	s8 =	simm.s32 $0x5;
	[dreg:$0x5] =	wrdreg s26  }
0x1b: {  	s9 =	simm.s32 $0x200;
	s10 =	simm.s32 $0xA00;
	[dreg:$0x7] =	wrdreg s7  }
0x1c: {  	s25 =	simm.s32 $0xE200;
	[dreg:$0x8] =	wrdreg s11;
	s7 =	smax.u32 s1, $0x1  }
0x1d: {  	v2 =	vlaneseq.u32;
	s11 =	simm.s32 $0x1200;
	s24 =	simm.s32 $0xDA00;
	[dreg:$0x16] =	wrdreg s25  }
0x1e: {  	vm0 =	vmmov $0xffff;
	v1 =	vshrl.u32 v2, $0x3;
	s26 =	simm.s32 $0xEA00;
	s25 =	simm.s32 $0x8200;
	[dreg:$0x15] =	wrdreg s24  }
0x1f: {  	v0 =	vand.u32 $0x7, v2;
	v2 =	vor.u32 $0x8, v2;
	v1 =	vmul.u32 $0x8, v1;
	s1 =	simm.s32 $0x4;
	s24 =	simm.s32 $0x7A00;
	[dreg:$0x17] =	wrdreg s26  }
.LBB2_1:
0x20: {  	s0 =	rddreg [dreg:$0x3]  }
0x21: {  	[tilespmem:s3], [sflag:$0x5] =	stream.linear.gather [hbm4b:s0+s3], $0x20, $0x38;
	[tilespmem:$0x10200] =	vst v63  }
0x22: {  	_ =	swait.ge [sflag:s8], $0x20  }
0x23: {  	s0 =	rddreg [dreg:$0x4];
	[sflag:s8] =	ssyncset.done $0x0  }
0x24: {  	s26 =	rddreg [dreg:$0x9];
	[sflag:s8] =	ssyncadd.s32 $0xFFFFFFE0  }
0x25: {  	[tilespmem:s26], [sflag:$0x5] =	stream.linear.gather [hbm4b:s0+s3], $0x20, $0x38;
	[tilespmem:$0x10200] =	vst v63  }
0x26: {  	_ =	swait.ge [sflag:s8], $0x20  }
0x27: {  	s0 =	rddreg [dreg:$0x5];
	[sflag:s8] =	ssyncset.done $0x0  }
0x28: {  	s26 =	rddreg [dreg:$0xa];
	[sflag:s8] =	ssyncadd.s32 $0xFFFFFFE0  }
0x29: {  	[tilespmem:s26], [sflag:$0x5] =	stream.linear.gather [hbm4b:s0+s3], $0x20, $0x38;
	[tilespmem:$0x10200] =	vst v63  }
0x2a: {  	_ =	swait.ge [sflag:s8], $0x20  }
0x2b: {  	[sflag:s8] =	ssyncset.done $0x0  }
0x2c: {  	[sflag:s8] =	ssyncadd.s32 $0xFFFFFFE0  }
0x2d: {  	v3 =	vld [tilespmem:$0x0];
	_ =	sdelay $0x4  }
0x2e: {  	v4 =	vshll.u32 v3, $0x3  }
0x2f: {  	v3 =	vand.u32 $0x7, v3;
	v4 =	vand.u32 $0xFFFFFFC0, v4  }
0x30: {  	v3 =	vor.u32 v3, v4  }
0x31: {  	v4 =	vperm.xlane v3, v0;
	_ =	sdelay $0x1  }
0x32: {  	v4 =	vadd.s32 v1, v4;
	_ =	sdelay $0x4  }
0x33: {  	[tilespmem:s9], [sflag:$0x1] =	stream.indirect_vreg.gather [hbm4b:s2+s3], $0x80, v4, vm0, $0xb8;
	[tilespmem:$0x10200] =	vst v63  }
0x34: {  	v3 =	vperm.xlane v3, v2  }
0x35: {  	[tilespmem:s10], [sflag:$0x1] =	stream.indirect_vreg.gather [hbm4b:s4+s3], $0x80, v4, vm0, $0xb8;
	[tilespmem:$0x10200] =	vst v63  }
0x36: {  	v3 =	vadd.s32 v1, v3  }
0x37: {  	[tilespmem:s11], [sflag:$0x1] =	stream.indirect_vreg.gather [hbm4b:s5+s3], $0x80, v4, vm0, $0xb8;
	[tilespmem:$0x10200] =	vst v63  }
0x38: {  	_ = 	snop  }
0x39: {  	[tilespmem:s12], [sflag:$0x1] =	stream.indirect_vreg.gather [hbm4b:s6+s3], $0x80, v4, vm0, $0xb8;
	[tilespmem:$0x10200] =	vst v63  }
0x3a: {  	_ = 	snop  }
0x3b: {  	[tilespmem:s13], [sflag:$0x1] =	stream.indirect_vreg.gather [hbm4b:s2+s3], $0x80, v3, vm0, $0xb8;
	[tilespmem:$0x10200] =	vst v63  }
0x3c: {  	_ = 	snop  }
0x3d: {  	[tilespmem:s14], [sflag:$0x1] =	stream.indirect_vreg.gather [hbm4b:s4+s3], $0x80, v3, vm0, $0xb8;
	[tilespmem:$0x10200] =	vst v63  }
0x3e: {  	_ = 	snop  }
0x3f: {  	[tilespmem:s15], [sflag:$0x1] =	stream.indirect_vreg.gather [hbm4b:s5+s3], $0x80, v3, vm0, $0xb8;
	[tilespmem:$0x10200] =	vst v63  }
0x40: {  	_ = 	snop  }
0x41: {  	[tilespmem:s16], [sflag:$0x1] =	stream.indirect_vreg.gather [hbm4b:s6+s3], $0x80, v3, vm0, $0xb8;
	[tilespmem:$0x10200] =	vst v63  }
0x42: {  	v3 =	vld [tilespmem:$0x10];
	_ =	sdelay $0x4  }
0x43: {  	v59 =	vshll.u32 v3, $0x3  }
0x44: {  	v3 =	vand.u32 $0x7, v3;
	v4 =	vand.u32 $0xFFFFFFC0, v59  }
0x45: {  	v3 =	vor.u32 v3, v4  }
0x46: {  	v4 =	vperm.xlane v3, v0;
	_ =	sdelay $0x1  }
0x47: {  	v4 =	vadd.s32 v1, v4;
	_ =	sdelay $0x4  }
0x48: {  	[tilespmem:s17], [sflag:$0x1] =	stream.indirect_vreg.gather [hbm4b:s2+s3], $0x80, v4, vm0, $0xb8;
	[tilespmem:$0x10200] =	vst v63  }
0x49: {  	v3 =	vperm.xlane v3, v2  }
0x4a: {  	[tilespmem:s18], [sflag:$0x1] =	stream.indirect_vreg.gather [hbm4b:s4+s3], $0x80, v4, vm0, $0xb8;
	[tilespmem:$0x10200] =	vst v63  }
0x4b: {  	v3 =	vadd.s32 v1, v3  }
0x4c: {  	[tilespmem:s19], [sflag:$0x1] =	stream.indirect_vreg.gather [hbm4b:s5+s3], $0x80, v4, vm0, $0xb8;
	[tilespmem:$0x10200] =	vst v63  }
0x4d: {  	_ = 	snop  }
0x4e: {  	[tilespmem:s20], [sflag:$0x1] =	stream.indirect_vreg.gather [hbm4b:s6+s3], $0x80, v4, vm0, $0xb8;
	[tilespmem:$0x10200] =	vst v63  }
0x4f: {  	_ = 	snop  }
0x50: {  	[tilespmem:s21], [sflag:$0x1] =	stream.indirect_vreg.gather [hbm4b:s2+s3], $0x80, v3, vm0, $0xb8;
	[tilespmem:$0x10200] =	vst v63  }
0x51: {  	_ = 	snop  }
0x52: {  	[tilespmem:s22], [sflag:$0x1] =	stream.indirect_vreg.gather [hbm4b:s4+s3], $0x80, v3, vm0, $0xb8;
	[tilespmem:$0x10200] =	vst v63  }
0x53: {  	_ = 	snop  }
0x54: {  	[tilespmem:s23], [sflag:$0x1] =	stream.indirect_vreg.gather [hbm4b:s5+s3], $0x80, v3, vm0, $0xb8;
	[tilespmem:$0x10200] =	vst v63  }
0x55: {  	_ = 	snop  }
0x56: {  	[tilespmem:s24], [sflag:$0x1] =	stream.indirect_vreg.gather [hbm4b:s6+s3], $0x80, v3, vm0, $0xb8;
	[tilespmem:$0x10200] =	vst v63  }
0x57: {  	v3 =	vld [tilespmem:$0x80];
	_ =	sdelay $0x4  }
0x58: {  	v60 =	vshll.u32 v3, $0x3  }
0x59: {  	v3 =	vand.u32 $0x7, v3;
	v4 =	vand.u32 $0xFFFFFFC0, v60  }
0x5a: {  	v3 =	vor.u32 v3, v4  }
0x5b: {  	v4 =	vperm.xlane v3, v0;
	_ =	sdelay $0x1  }
0x5c: {  	v4 =	vadd.s32 v1, v4;
	_ =	sdelay $0x4  }
0x5d: {  	[tilespmem:s25], [sflag:$0x2] =	stream.indirect_vreg.gather [hbm4b:s2+s3], $0x80, v4, vm0, $0xb8;
	[tilespmem:$0x10200] =	vst v63  }
0x5e: {  	s0 =	rddreg [dreg:$0xb];
	v3 =	vperm.xlane v3, v2  }
0x5f: {  	[tilespmem:s0], [sflag:$0x2] =	stream.indirect_vreg.gather [hbm4b:s4+s3], $0x80, v4, vm0, $0xb8;
	[tilespmem:$0x10200] =	vst v63  }
0x60: {  	s26 =	rddreg [dreg:$0xc];
	v3 =	vadd.s32 v1, v3  }
0x61: {  	[tilespmem:s26], [sflag:$0x2] =	stream.indirect_vreg.gather [hbm4b:s5+s3], $0x80, v4, vm0, $0xb8;
	[tilespmem:$0x10200] =	vst v63  }
0x62: {  	s0 =	rddreg [dreg:$0xd]  }
0x63: {  	[tilespmem:s0], [sflag:$0x2] =	stream.indirect_vreg.gather [hbm4b:s6+s3], $0x80, v4, vm0, $0xb8;
	[tilespmem:$0x10200] =	vst v63  }
0x64: {  	s26 =	rddreg [dreg:$0xe]  }
0x65: {  	[tilespmem:s26], [sflag:$0x2] =	stream.indirect_vreg.gather [hbm4b:s2+s3], $0x80, v3, vm0, $0xb8;
	[tilespmem:$0x10200] =	vst v63  }
0x66: {  	s0 =	rddreg [dreg:$0xf]  }
0x67: {  	[tilespmem:s0], [sflag:$0x2] =	stream.indirect_vreg.gather [hbm4b:s4+s3], $0x80, v3, vm0, $0xb8;
	[tilespmem:$0x10200] =	vst v63  }
0x68: {  	s26 =	rddreg [dreg:$0x10]  }
0x69: {  	[tilespmem:s26], [sflag:$0x2] =	stream.indirect_vreg.gather [hbm4b:s5+s3], $0x80, v3, vm0, $0xb8;
	[tilespmem:$0x10200] =	vst v63  }
0x6a: {  	s0 =	rddreg [dreg:$0x11]  }
0x6b: {  	[tilespmem:s0], [sflag:$0x2] =	stream.indirect_vreg.gather [hbm4b:s6+s3], $0x80, v3, vm0, $0xb8;
	[tilespmem:$0x10200] =	vst v63  }
0x6c: {  	v3 =	vld [tilespmem:$0x90];
	_ =	sdelay $0x4  }
0x6d: {  	v61 =	vshll.u32 v3, $0x3  }
0x6e: {  	v3 =	vand.u32 $0x7, v3;
	v4 =	vand.u32 $0xFFFFFFC0, v61  }
0x6f: {  	v3 =	vor.u32 v3, v4  }
0x70: {  	v4 =	vperm.xlane v3, v0;
	_ =	sdelay $0x1  }
0x71: {  	v4 =	vadd.s32 v1, v4;
	_ =	sdelay $0x3  }
0x72: {  	s0 =	rddreg [dreg:$0x12]  }
0x73: {  	[tilespmem:s0], [sflag:$0x2] =	stream.indirect_vreg.gather [hbm4b:s2+s3], $0x80, v4, vm0, $0xb8;
	[tilespmem:$0x10200] =	vst v63  }
0x74: {  	s26 =	rddreg [dreg:$0x13];
	v3 =	vperm.xlane v3, v2  }
0x75: {  	[tilespmem:s26], [sflag:$0x2] =	stream.indirect_vreg.gather [hbm4b:s4+s3], $0x80, v4, vm0, $0xb8;
	[tilespmem:$0x10200] =	vst v63  }
0x76: {  	v3 =	vadd.s32 v1, v3;
	s0 =	rddreg [dreg:$0x14]  }
0x77: {  	[tilespmem:s0], [sflag:$0x2] =	stream.indirect_vreg.gather [hbm4b:s5+s3], $0x80, v4, vm0, $0xb8;
	[tilespmem:$0x10200] =	vst v63  }
0x78: {  	s26 =	rddreg [dreg:$0x15]  }
0x79: {  	[tilespmem:s26], [sflag:$0x2] =	stream.indirect_vreg.gather [hbm4b:s6+s3], $0x80, v4, vm0, $0xb8;
	[tilespmem:$0x10200] =	vst v63  }
0x7a: {  	s0 =	rddreg [dreg:$0x16]  }
0x7b: {  	[tilespmem:s0], [sflag:$0x2] =	stream.indirect_vreg.gather [hbm4b:s2+s3], $0x80, v3, vm0, $0xb8;
	[tilespmem:$0x10200] =	vst v63  }
0x7c: {  	s26 =	rddreg [dreg:$0x17]  }
0x7d: {  	[tilespmem:s26], [sflag:$0x2] =	stream.indirect_vreg.gather [hbm4b:s4+s3], $0x80, v3, vm0, $0xb8;
	[tilespmem:$0x10200] =	vst v63  }
0x7e: {  	s26 =	simm.s32 $0xF200  }
0x7f: {  	[tilespmem:s26], [sflag:$0x2] =	stream.indirect_vreg.gather [hbm4b:s5+s3], $0x80, v3, vm0, $0xb8;
	[tilespmem:$0x10200] =	vst v63  }
0x80: {  	_ = 	snop  }
0x81: {  	[tilespmem:s28], [sflag:$0x2] =	stream.indirect_vreg.gather [hbm4b:s6+s3], $0x80, v3, vm0, $0xb8;
	[tilespmem:$0x10200] =	vst v63  }
0x82: {  	_ =	swait.ge [sflag:s29], $0x8000  }
0x83: {  	[sflag:s29] =	ssyncset.done $0x0  }
0x84: {  	s26 =	rddreg [dreg:$0x6];
	[sflag:s29] =	ssyncadd.s32 $0xFFFF8000  }
0x85: {  	[hbm4b:s26+s3] =	stream.linear.scatter [tilespmem:s9], [sflag:$0x3], $0x8000, $0x38;
	[tilespmem:$0x10200] =	vst v63  }
0x86: {  	_ =	swait.ge [sflag:s30], $0x8000  }
0x87: {  	[sflag:s30] =	ssyncset.done $0x0  }
0x88: {  	[sflag:s30] =	ssyncadd.s32 $0xFFFF8000  }
0x89: {  	v3 =	vld [tilespmem:$0x100];
	_ =	sdelay $0x4  }
0x8a: {  	v62 =	vshll.u32 v3, $0x3  }
0x8b: {  	v3 =	vand.u32 $0x7, v3;
	v4 =	vand.u32 $0xFFFFFFC0, v62  }
0x8c: {  	v3 =	vor.u32 v3, v4  }
0x8d: {  	v4 =	vperm.xlane v3, v0;
	_ =	sdelay $0x1  }
0x8e: {  	v4 =	vadd.s32 v1, v4;
	_ =	sdelay $0x4  }
0x8f: {  	[tilespmem:s9], [sflag:$0x1] =	stream.indirect_vreg.gather [hbm4b:s2+s3], $0x80, v4, vm0, $0xb8;
	[tilespmem:$0x10200] =	vst v63  }
0x90: {  	v3 =	vperm.xlane v3, v2  }
0x91: {  	[tilespmem:s10], [sflag:$0x1] =	stream.indirect_vreg.gather [hbm4b:s4+s3], $0x80, v4, vm0, $0xb8;
	[tilespmem:$0x10200] =	vst v63  }
0x92: {  	v3 =	vadd.s32 v1, v3  }
0x93: {  	[tilespmem:s11], [sflag:$0x1] =	stream.indirect_vreg.gather [hbm4b:s5+s3], $0x80, v4, vm0, $0xb8;
	[tilespmem:$0x10200] =	vst v63  }
0x94: {  	_ = 	snop  }
0x95: {  	[tilespmem:s12], [sflag:$0x1] =	stream.indirect_vreg.gather [hbm4b:s6+s3], $0x80, v4, vm0, $0xb8;
	[tilespmem:$0x10200] =	vst v63  }
0x96: {  	_ = 	snop  }
0x97: {  	[tilespmem:s13], [sflag:$0x1] =	stream.indirect_vreg.gather [hbm4b:s2+s3], $0x80, v3, vm0, $0xb8;
	[tilespmem:$0x10200] =	vst v63  }
0x98: {  	_ = 	snop  }
0x99: {  	[tilespmem:s14], [sflag:$0x1] =	stream.indirect_vreg.gather [hbm4b:s4+s3], $0x80, v3, vm0, $0xb8;
	[tilespmem:$0x10200] =	vst v63  }
0x9a: {  	_ = 	snop  }
0x9b: {  	[tilespmem:s15], [sflag:$0x1] =	stream.indirect_vreg.gather [hbm4b:s5+s3], $0x80, v3, vm0, $0xb8;
	[tilespmem:$0x10200] =	vst v63  }
0x9c: {  	_ = 	snop  }
0x9d: {  	[tilespmem:s16], [sflag:$0x1] =	stream.indirect_vreg.gather [hbm4b:s6+s3], $0x80, v3, vm0, $0xb8;
	[tilespmem:$0x10200] =	vst v63  }
0x9e: {  	v3 =	vld [tilespmem:$0x110];
	_ =	sdelay $0x4  }
0x9f: {  	v63 =	vshll.u32 v3, $0x3  }
0xa0: {  	v3 =	vand.u32 $0x7, v3;
	v4 =	vand.u32 $0xFFFFFFC0, v63  }
0xa1: {  	v3 =	vor.u32 v3, v4  }
0xa2: {  	v4 =	vperm.xlane v3, v0;
	_ =	sdelay $0x1  }
0xa3: {  	v4 =	vadd.s32 v1, v4;
	_ =	sdelay $0x4  }
0xa4: {  	[tilespmem:s17], [sflag:$0x1] =	stream.indirect_vreg.gather [hbm4b:s2+s3], $0x80, v4, vm0, $0xb8;
	[tilespmem:$0x10200] =	vst v63  }
0xa5: {  	v3 =	vperm.xlane v3, v2  }
0xa6: {  	[tilespmem:s18], [sflag:$0x1] =	stream.indirect_vreg.gather [hbm4b:s4+s3], $0x80, v4, vm0, $0xb8;
	[tilespmem:$0x10200] =	vst v63  }
0xa7: {  	v3 =	vadd.s32 v1, v3  }
0xa8: {  	[tilespmem:s19], [sflag:$0x1] =	stream.indirect_vreg.gather [hbm4b:s5+s3], $0x80, v4, vm0, $0xb8;
	[tilespmem:$0x10200] =	vst v63  }
0xa9: {  	_ = 	snop  }
0xaa: {  	[tilespmem:s20], [sflag:$0x1] =	stream.indirect_vreg.gather [hbm4b:s6+s3], $0x80, v4, vm0, $0xb8;
	[tilespmem:$0x10200] =	vst v63  }
0xab: {  	_ = 	snop  }
0xac: {  	[tilespmem:s21], [sflag:$0x1] =	stream.indirect_vreg.gather [hbm4b:s2+s3], $0x80, v3, vm0, $0xb8;
	[tilespmem:$0x10200] =	vst v63  }
0xad: {  	_ = 	snop  }
0xae: {  	[tilespmem:s22], [sflag:$0x1] =	stream.indirect_vreg.gather [hbm4b:s4+s3], $0x80, v3, vm0, $0xb8;
	[tilespmem:$0x10200] =	vst v63  }
0xaf: {  	_ = 	snop  }
0xb0: {  	[tilespmem:s23], [sflag:$0x1] =	stream.indirect_vreg.gather [hbm4b:s5+s3], $0x80, v3, vm0, $0xb8;
	[tilespmem:$0x10200] =	vst v63  }
0xb1: {  	_ = 	snop  }
0xb2: {  	[tilespmem:s24], [sflag:$0x1] =	stream.indirect_vreg.gather [hbm4b:s6+s3], $0x80, v3, vm0, $0xb8;
	[tilespmem:$0x10200] =	vst v63  }
0xb3: {  	_ =	swait.ge [sflag:s31], $0x8000  }
0xb4: {  	[sflag:s31] =	ssyncset.done $0x0  }
0xb5: {  	s26 =	rddreg [dreg:$0x7];
	[sflag:s31] =	ssyncadd.s32 $0xFFFF8000  }
0xb6: {  	[hbm4b:s26+s3] =	stream.linear.scatter [tilespmem:s25], [sflag:$0x4], $0x8000, $0x38;
	[tilespmem:$0x10200] =	vst v63  }
0xb7: {  	_ =	swait.ge [sflag:s29], $0x8000  }
0xb8: {  	[sflag:s29] =	ssyncset.done $0x0  }
0xb9: {  	s26 =	rddreg [dreg:$0x8];
	[sflag:s29] =	ssyncadd.s32 $0xFFFF8000  }
0xba: {  	[hbm4b:s26+s3] =	stream.linear.scatter [tilespmem:s9], [sflag:$0x3], $0x8000, $0x38;
	[tilespmem:$0x10200] =	vst v63  }
0xbb: {  	p0 =	sne.s32 s7, $0x1;
	_ =	swait.ge [sflag:s1], $0x8000  }
.Ltmp0:
0xbc: {  	[sflag:s1] =	ssyncset.done $0x0;
	(pc) =	sbr.rel @p0 .LBB2_1-.Ltmp0, $4  }
0xbd: {  	[sflag:s1] =	ssyncadd.s32 $0xFFFF8000  }
0xbe: {  	_ =	swait.ge [sflag:s30], $0x8000  }
0xbf: {  	[sflag:s30] =	ssyncset.done $0x0  }
0xc0: {  	s7 =	sadd.s32 $0xFFFFFFFF, s7;
	[sflag:s30] =	ssyncadd.s32 $0xFFFF8000  }
0xc1: {  	_ =	sfence.sel $0x180000  }
0xc2: {  	[bflag:$0x0] =	sbarrier.arrive $0xFFFF  }
0xc3: {  	_ =	strace $0x90000047  }
0xc4: {  	s0 =	stileid.u32;
	[bflag:$0x2] =	sbarrier.arrive $0xFFFF  }
0xc5: {  	p0 =	sne.s32 s0, $0x0;
	s0 =	rddreg [dreg:$0x2]  }
0xc6: {  	s0 =	sadd.s32 @!p0 $0x100000, s0  }
0xc7: {  	[sflag:s0] =	ssyncadd.tile.s32 @!p0 $0x1;
	_ =	shalt  }
.Lfunc_end2:
_tile_overlayer_lowered:
.L_overlay_start_2:
0xc8: {  	(tag) =	ssettag $0x2  }
0xc9: {  	s0 =	rddreg [dreg:$0x0];
	s2 =	stileid.u32  }
0xca: {  	s1 =	rddreg [dreg:$0x1];
	p0 =	sne.s32 s2, $0x0  }
0xcb: {  	s3 =	rddreg [dreg:$0x2];
	[bflag:$0x3] =	sbarrier.arrive $0xFFFF;
	s2 =	simm.s32 @!p0 $0x1C05  }
0xcc: {  	[timem:s3], [sflag:s2] =	dma.local @!p0 [hbm:s0], s1  }
0xcd: {  	s0 =	simm.s32 @!p0 $0x5  }
0xce: {  	_ =	swait.ge @!p0 [sflag:s0], s1  }
0xcf: {  	s1 =	ssub.s32 @!p0 $0x0, s1;
	[sflag:s0] =	ssyncset.done @!p0 $0x0  }
0xd0: {  	[sflag:s0] =	ssyncadd.s32 @!p0 s1  }
0xd1: {  	[bflag:$0x3] =	sbarrier.arrive $0xFFFF  }
0xd2: {  	_ =	shalt  }

// kernel: kernel.9.cloned.1.call-start
scs
__scs_entry_jumppad:
0x0: {  	(pc) =	sbr.rel $0x88, $3  }
0x1: {  	(tag) =	ssettag $0x0;
	lr =	simm.s32 $0x1  }
0x2: {  	[smem:$0x3F9A] =	sst lr;
	_ =	strace $0xD0000000  }
0x3: {  	_ = 	snop  }
0x4: {  	_ = 	snop  }
0x5: {  	_ = 	snop  }
0x6: {  	_ = 	snop  }
0x7: {  	_ = 	snop  }
__scs_overlays_trampoline_lowered:
0x8: {  	[smem:$0x3FA9] =	sst s0  }
0x9: {  	[smem:$0x3FAA] =	sst s1  }
0xa: {  	[smem:$0x3FAB] =	sst s2  }
0xb: {  	[smem:$0x3FAC] =	sst s3  }
0xc: {  	[smem:$0x3FAD] =	sst s4  }
0xd: {  	[smem:$0x3FAE] =	sst s5  }
0xe: {  	[smem:$0x3FAF] =	sst s6  }
0xf: {  	[smem:$0x3FB0] =	sst s7  }
0x10: {  	[smem:$0x3FB1] =	sst s8  }
0x11: {  	[smem:$0x3FB2] =	sst s9;
	s0 =	simm.s32 @!p0 $0x0  }
0x12: {  	s1 =	sld [smem:$0x3F98];
	s0 =	simm.s32 @p0 $0x1  }
0x13: {  	[smem:$0x3FB3] =	sst s0;
	s0 =	simm.s32 @!p1 $0x0  }
0x14: {  	s2 =	sld [smem:$0x3F97];
	s0 =	simm.s32 @p1 $0x1  }
0x15: {  	[smem:$0x3FB4] =	sst s0;
	s0 =	simm.s32 @!p2 $0x0  }
0x16: {  	s3 =	sld [smem:$0x3FDB];
	s0 =	simm.s32 @p2 $0x1  }
0x17: {  	s4 =	simm.s32 $0x1BF5;
	[smem:$0x3FB6] =	sst s0  }
0x18: {  	s0 =	sld [smem:$0x3F99];
	_ =	swait.ge [sflag:s4], $0x0  }
0x19: {  	s7 =	sld [smem:$0x3F9A]  }
0x1a: {  	s8 =	sadd.s32 $0xFFFFE003, lr  }
0x1b: {  	s9 =	sadd.s32 $0xFFFFFEF7, lr;
	s5 =	simm.s32 $0xFFFFFFFF;
	p2 =	slt.u32 s8, $0xFFFFF086  }
0x1c: {  	p1 =	slt.u32 s9, $0xF7A;
	s5 =	simm.s32 @!p2 $0x0  }
0x1d: {  	s5 =	simm.s32 @p1 $0x1;
	p0 =	seq.s32 s7, s2  }
0x1e: {  	s7 =	smul.u32 @!p0 $0xF7A, s2;
	p2 =	seq.s32 @!p0 s5, $0x0  }
0x1f: {  	s9 =	smul.u32 $0xF7A, s1;
	s8 =	simm.s32 @!p0 $0x1BF5;
	p2 =	por !p2, p0  }
0x20: {  	[sflag:s8] =	ssyncset.s32 @!p0 $0xFFFFF086;
	s6 =	sadd.s32 @!p0 s3, s7;
	s7 =	simm.s32 @!p0 $0x108  }
0x21: {  	s3 =	sadd.s32 s3, s9;
	s6 =	sadd.s32 @!p0 $0x88, s6;
	s7 =	simm.s32 @p2 $0x1082  }
0x22: {  	[simem:s7], [sflag:s8] =	dma.local @!p0 [hbm:s6], $0xF7A  }
0x23: {  	s9 =	sor.u32 $0xD0000000, s2;
	s6 =	simm.s32 $0x108;
	_ =	swait.ge @!p0 [sflag:s8], $0x0  }
0x24: {  	s3 =	sadd.s32 $0x88, s3;
	s6 =	simm.s32 @!p1 $0x1082;
	[sflag:s4] =	ssyncset.s32 $0xFFFFF086  }
0x25: {  	[simem:s6], [sflag:s4] =	dma.local [hbm:s3], $0xF7A  }
0x26: {  	[smem:$0x3F9A] =	sst s1;
	(tag) =	ssettag s2;
	_ =	strace s9  }
0x27: {  	s1 =	sld [smem:$0x3FAA]  }
0x28: {  	s2 =	sld [smem:$0x3FAB]  }
0x29: {  	s4 =	sld [smem:$0x3FAD]  }
0x2a: {  	p0 =	seq.s32 s5, $0x0;
	s5 =	sld [smem:$0x3FAE]  }
0x2b: {  	s6 =	sld [smem:$0x3FAF]  }
0x2c: {  	s7 =	sld [smem:$0x3FB0]  }
0x2d: {  	s3 =	simm.s32 $0x108;
	s8 =	sld [smem:$0x3FB1]  }
0x2e: {  	s3 =	simm.s32 @!p0 $0x1082;
	s9 =	sld [smem:$0x3FB2]  }
0x2f: {  	lr =	sadd.s32 s0, s3;
	s0 =	sld [smem:$0x3FA9]  }
0x30: {  	s3 =	sld [smem:$0x3FAC]  }
0x31: {  	[smem:$0x3FB5] =	sst s10  }
0x32: {  	s10 =	sld [smem:$0x3FB3];
	_ =	sdelay $0x3  }
0x33: {  	p0 =	seq.s32 s10, $0x1;
	s10 =	sld [smem:$0x3FB5];
	_ =	sdelay $0x3  }
0x34: {  	[smem:$0x3FB5] =	sst s10  }
0x35: {  	s10 =	sld [smem:$0x3FB4];
	_ =	sdelay $0x3  }
0x36: {  	p1 =	seq.s32 s10, $0x1;
	s10 =	sld [smem:$0x3FB5];
	_ =	sdelay $0x3  }
0x37: {  	[smem:$0x3FB5] =	sst s10  }
0x38: {  	s10 =	sld [smem:$0x3FB6]  }
0x39: {  	_ = 	snop;
	(pc) =	sbr.ind lr, $3  }
0x3a: {  	_ = 	snop  }
0x3b: {  	_ = 	snop  }
0x3c: {  	p2 =	seq.s32 s10, $0x1;
	s10 =	sld [smem:$0x3FB5]  }
0x3d: {  	_ =	shalt  }
0x3e: {  	_ =	shalt  }
0x3f: {  	_ =	shalt  }
0x40: {  	_ =	shalt  }
0x41: {  	_ =	shalt  }
0x42: {  	_ =	shalt  }
0x43: {  	_ =	shalt  }
0x44: {  	_ =	shalt  }
0x45: {  	_ =	shalt  }
0x46: {  	_ =	shalt  }
0x47: {  	_ =	shalt  }
0x48: {  	_ =	shalt  }
0x49: {  	_ =	shalt  }
0x4a: {  	_ =	shalt  }
0x4b: {  	_ =	shalt  }
0x4c: {  	_ =	shalt  }
0x4d: {  	_ =	shalt  }
0x4e: {  	_ =	shalt  }
0x4f: {  	_ =	shalt  }
0x50: {  	_ =	shalt  }
0x51: {  	_ =	shalt  }
0x52: {  	_ =	shalt  }
0x53: {  	_ =	shalt  }
0x54: {  	_ =	shalt  }
0x55: {  	_ =	shalt  }
0x56: {  	_ =	shalt  }
0x57: {  	_ =	shalt  }
0x58: {  	_ =	shalt  }
0x59: {  	_ =	shalt  }
0x5a: {  	_ =	shalt  }
0x5b: {  	_ =	shalt  }
0x5c: {  	_ =	shalt  }
0x5d: {  	_ =	shalt  }
0x5e: {  	_ =	shalt  }
0x5f: {  	_ =	shalt  }
0x60: {  	_ =	shalt  }
0x61: {  	_ =	shalt  }
0x62: {  	_ =	shalt  }
0x63: {  	_ =	shalt  }
0x64: {  	_ =	shalt  }
0x65: {  	_ =	shalt  }
0x66: {  	_ =	shalt  }
0x67: {  	_ =	shalt  }
0x68: {  	_ =	shalt  }
0x69: {  	_ =	shalt  }
0x6a: {  	_ =	shalt  }
0x6b: {  	_ =	shalt  }
0x6c: {  	_ =	shalt  }
0x6d: {  	_ =	shalt  }
0x6e: {  	_ =	shalt  }
0x6f: {  	_ =	shalt  }
0x70: {  	_ =	shalt  }
0x71: {  	_ =	shalt  }
0x72: {  	_ =	shalt  }
0x73: {  	_ =	shalt  }
0x74: {  	_ =	shalt  }
0x75: {  	_ =	shalt  }
0x76: {  	_ =	shalt  }
0x77: {  	_ =	shalt  }
0x78: {  	_ =	shalt  }
0x79: {  	_ =	shalt  }
0x7a: {  	_ =	shalt  }
0x7b: {  	_ =	shalt  }
0x7c: {  	_ =	shalt  }
0x7d: {  	_ =	shalt  }
0x7e: {  	_ =	shalt  }
0x7f: {  	_ =	shalt  }
0x80: {  	_ =	shalt  }
0x81: {  	_ =	shalt  }
0x82: {  	_ =	shalt  }
0x83: {  	_ =	shalt  }
0x84: {  	_ =	shalt  }
0x85: {  	_ =	shalt  }
0x86: {  	_ =	shalt  }
0x87: {  	_ =	shalt  }
.Lfunc_end0:
.L_simem_size_0:
called_computation.1_lowered:
.L_overlay_start_0:
0x88: {  	s2 =	sld [smem:$0x3FD9]  }
0x89: {  	s3 =	sld [smem:$0x3FFE];
	_ =	sdelay $0x1  }
0x8a: {  	s1 =	srdreg.scid  }
0x8b: {  	s0 =	sand.u32 $0x1, s1  }
0x8c: {  	s17 =	sshll.u32 s0, $0xA;
	s2 =	sadd.s32 s3, s2  }
0x8d: {  	s2 =	sadd.s32 s2, s17  }
0x8e: {  	[smem:$0x3FC1] =	sst s2  }
0x8f: {  	_ = 	snop  }
0x90: {  	s2 =	sld [smem:$0x3FD0];
	(tm) =	ssettm $0x1  }
0x91: {  	s18 =	sld [smem:$0x3FFB];
	_ =	sdelay $0x3  }
0x92: {  	_ =	strace s18  }
0x93: {  	s3 =	sld [smem:$0x3FFC];
	_ =	sdelay $0x3  }
0x94: {  	_ =	strace s3  }
0x95: {  	s3 =	sld [smem:$0x3FFD];
	_ =	sdelay $0x3  }
0x96: {  	_ =	strace s3  }
0x97: {  	_ =	strace $0x8FFFFFFF  }
0x98: {  	s19 =	sld [smem:$0x3FDB];
	_ =	sdelay $0x1  }
0x99: {  	s4 =	simm.s32 $_scs_section_size  }
0x9a: {  	s5 =	simm.s32 $_size__tile_overlayer_lowered;
	s6 =	simm.s32 $_tile_overlayer_lowered  }
0x9b: {  	s22 =	simm.s32 $0x1BFF;
	s21 =	sshll.u32 s6, $0x1;
	s3 =	sadd.s32 s4, s19  }
0x9c: {  	s7 =	simm.s32 $0x0;
	s20 =	sshll.u32 s5, $0x1;
	s5 =	sadd.s32 s21, s3  }
0x9d: {  	[timem:s7], [sflag:s22] =	dma.local [hbm:s5], s20  }
0x9e: {  	_ =	swait.ge [sflag:s22], s20  }
0x9f: {  	s4 =	ssub.s32 $0x0, s20;
	[sflag:s22] =	ssyncset.done $0x0  }
0xa0: {  	[sflag:s22] =	ssyncadd.s32 s4;
	_ =	sdelay $0x1  }
0xa1: {  	s23 =	simm.s32 $0x1B8B  }
0xa2: {  	_ =	swait.ge [sflag:s23], $0x1  }
0xa3: {  	[sflag:s23] =	ssyncset.done $0x0  }
0xa4: {  	s25 =	simm.s32 $0x1B8E;
	s24 =	sld [smem:$0x3FFE];
	[sflag:s23] =	ssyncadd.s32 $0xFFFFFFFF  }
0xa5: {  	s26 =	simm.s32 $execute0_lowered;
	[smem:$0x3FD2] =	sst s25  }
0xa6: {  	s5 =	sshll.u32 s26, $0x1;
	_ =	strace $0x80000049;
	[dreg:$0x1] =	wrdreg $0xFFFFFFFF  }
0xa7: {  	s28 =	simm.s32 $_size_execute0_lowered;
	s3 =	sadd.s32 s3, s5;
	[dreg:$0x0] =	wrdreg $0x0  }
0xa8: {  	s5 =	sshll.u32 s28, $0x1;
	[dreg:$0x2] =	wrdreg s3  }
0xa9: {  	[dreg:$0x3] =	wrdreg s5  }
0xaa: {  	[dreg:$0x4] =	wrdreg $0xC0  }
0xab: {  	_ =	task [dreg:s7], $0x5FFFF  }
0xac: {  	[dreg:$0x1] =	wrdreg $0xFFFFFFFF  }
0xad: {  	[dreg:$0x0] =	wrdreg $0x60  }
0xae: {  	[dreg:$0x2] =	wrdreg s24  }
0xaf: {  	[dreg:$0x3] =	wrdreg s2  }
0xb0: {  	[dreg:$0x4] =	wrdreg $0x9  }
0xb1: {  	_ =	task.clear_ibuf [dreg:s7], $0x5FFFF;
	_ =	strace $0x90000049  }
0xb2: {  	s29 =	simm.s32 $0x9;
	_ =	strace $0x8000004B  }
0xb3: {  	_ =	swait.ge [sflag:s29], $0x1  }
0xb4: {  	[sflag:s29] =	ssyncadd.s32 $0xFFFFFFFF  }
0xb5: {  	_ =	strace $0x9000004B  }
0xb6: {  	_ =	sfence  }
0xb7: {  	s30 =	sld [smem:$0x0];
	_ =	sdelay $0x2  }
0xb8: {  	s31 =	sshll.u32 s1, $0xD;
	s1 =	sshrl.u32 s1, $0x2  }
0xb9: {  	s3 =	sand.u32 $0x4000, s31;
	s1 =	sadd.s32 s1, s30  }
0xba: {  	s0 =	sor.u32 s3, s0;
	s1 =	sshll.u32 s1, $0x11  }
0xbb: {  	s0 =	sor.u32 s1, s0  }
0xbc: {  	s0 =	sadd.s32 $0x8F2B, s0  }
0xbd: {  	[sflag:s0] =	ssyncadd.remote.s32 $0x1  }
0xbe: {  	_ =	sfence.sel $0xFFFF  }
0xbf: {  	[dreg:$0x0] =	wrdreg $0xFFFFFFFF;
	(pc) =	sbr.abs _section_cstart, $3  }
0xc0: {  	[dreg:$0x1] =	wrdreg $0xFFFFFFFF  }
0xc1: {  	_ =	task.clear_ibuf [dreg:s7], $0x2FFFF;
	_ =	strace $0x9FFFFFFF  }
0xc2: {  	(tm) =	ssettm $0x7FFFFFFF  }
0xc3: {  	_ =	shalt  }
tec
execute0_lowered:
.L_overlay_start_1:
0x0: {  	(tag) =	ssettag $0x1  }
0x1: {  	s0 =	rddreg [dreg:$0x0];
	s2 =	srdreg.scid  }
0x2: {  	s3 =	rddreg [dreg:$0x1];
	s4 =	sand.u32 $0x1, s2;
	s2 =	simm.s32 $0x0  }
0x3: {  	s11 =	simm.s32 $0x80;
	[smem:$0x7FF] =	sst s2  }
0x4: {  	s12 =	simm.s32 $0x900;
	_ =	strace $0x8000004A;
	[dreg:$0x7] =	wrdreg s11  }
0x5: {  	s13 =	simm.s32 $0x1100;
	[dreg:$0x8] =	wrdreg s12  }
0x6: {  	s1 =	stileid.u32;
	s14 =	simm.s32 $0x1900;
	[dreg:$0x9] =	wrdreg s13  }
0x7: {  	s15 =	simm.s32 $0x2100;
	s16 =	simm.s32 $0x2900;
	[dreg:$0xa] =	wrdreg s14  }
0x8: {  	s17 =	simm.s32 $0x3100;
	s19 =	simm.s32 $0x3900;
	[dreg:$0xb] =	wrdreg s15  }
0x9: {  	s21 =	simm.s32 $0x4100;
	s22 =	simm.s32 $0x4900;
	[dreg:$0xc] =	wrdreg s16  }
0xa: {  	s23 =	simm.s32 $0x5100;
	s24 =	simm.s32 $0x5900;
	[dreg:$0xd] =	wrdreg s17  }
0xb: {  	s25 =	simm.s32 $0x6100;
	s26 =	simm.s32 $0x6900;
	[dreg:$0xe] =	wrdreg s19  }
0xc: {  	s28 =	simm.s32 $0xF900;
	s29 =	simm.s32 $0x1;
	[dreg:$0xf] =	wrdreg s21  }
0xd: {  	s30 =	simm.s32 $0x2;
	s31 =	simm.s32 $0x3;
	[dreg:$0x10] =	wrdreg s22  }
0xe: {  	s5 =	sshll.u32 s1, $0x7;
	s1 =	sadd.s32 $0x60E00, s0;
	[dreg:$0x11] =	wrdreg s23  }
0xf: {  	s6 =	sshll.u32 s4, $0x6;
	s4 =	ssub.s32 $0x2, s4;
	[dreg:$0x12] =	wrdreg s24  }
0x10: {  	s5 =	sor.u32 s6, s5;
	s18 =	sshrl.u32 s4, $0x1;
	[dreg:$0x13] =	wrdreg s25  }
0x11: {  	[dreg:$0x14] =	wrdreg s26;
	s11 =	simm.s32 $0x7900;
	s12 =	simm.s32 $0x8100  }
0x12: {  	s13 =	simm.s32 $0x8900;
	s14 =	simm.s32 $0x9100;
	s15 =	simm.s32 $0x9900  }
0x13: {  	s16 =	simm.s32 $0xA100;
	s17 =	simm.s32 $0xA900;
	s19 =	simm.s32 $0xB900  }
0x14: {  	s21 =	simm.s32 $0xC900;
	s22 =	simm.s32 $0xD100;
	s23 =	simm.s32 $0xD900  }
0x15: {  	s24 =	simm.s32 $0xE100;
	s25 =	simm.s32 $0xE900;
	s26 =	simm.s32 $0xF100  }
0x16: {  	s7 =	sshrl.u32 s5, $0x3;
	s8 =	sor.u32 $0x20, s5;
	s5 =	sshll.u32 s5, $0x7  }
0x17: {  	s20 =	ssub.s32 s4, s18;
	s4 =	sadd.s32 $0x61500, s0;
	s18 =	simm.s32 $0xB100  }
0x18: {  	s7 =	sadd.s32 s1, s7;
	s9 =	sshrl.u32 s8, $0x3;
	s5 =	sadd.s32 s3, s5  }
0x19: {  	s10 =	sshll.u32 s8, $0x7;
	s8 =	simm.s32 $0x5;
	[dreg:$0x3] =	wrdreg s7  }
0x1a: {  	s6 =	sadd.s32 s1, s9;
	[dreg:$0x5] =	wrdreg s5;
	s3 =	sadd.s32 s3, s10  }
0x1b: {  	v2 =	vlaneseq.u32;
	s5 =	sadd.s32 $0x61600, s0;
	s7 =	smax.u32 s20, $0x1;
	[dreg:$0x4] =	wrdreg s6  }
0x1c: {  	vm0 =	vmmov $0xffff;
	v1 =	vshrl.u32 v2, $0x3;
	s9 =	simm.s32 $0x100;
	s20 =	simm.s32 $0xC100;
	[dreg:$0x6] =	wrdreg s3  }
0x1d: {  	v0 =	vand.u32 $0x7, v2;
	v2 =	vor.u32 $0x8, v2;
	v1 =	vmul.u32 $0x8, v1;
	s3 =	sadd.s32 $0x61400, s0;
	s6 =	sadd.s32 $0x61700, s0;
	s0 =	simm.s32 $0x4  }
.LBB2_1:
0x1e: {  	s1 =	rddreg [dreg:$0x3]  }
0x1f: {  	[tilespmem:s2], [sflag:$0x5] =	stream.linear.gather [hbm4b:s1+s2], $0x20, $0x38;
	[tilespmem:$0x10100] =	vst v63  }
0x20: {  	_ =	swait.ge [sflag:s8], $0x20  }
0x21: {  	s1 =	rddreg [dreg:$0x4];
	[sflag:s8] =	ssyncset.done $0x0  }
0x22: {  	s10 =	rddreg [dreg:$0x7];
	[sflag:s8] =	ssyncadd.s32 $0xFFFFFFE0  }
0x23: {  	[tilespmem:s10], [sflag:$0x5] =	stream.linear.gather [hbm4b:s1+s2], $0x20, $0x38;
	[tilespmem:$0x10100] =	vst v63  }
0x24: {  	_ =	swait.ge [sflag:s8], $0x20  }
0x25: {  	[sflag:s8] =	ssyncset.done $0x0  }
0x26: {  	[sflag:s8] =	ssyncadd.s32 $0xFFFFFFE0  }
0x27: {  	v3 =	vld [tilespmem:$0x0];
	_ =	sdelay $0x4  }
0x28: {  	v4 =	vshll.u32 v3, $0x3  }
0x29: {  	v3 =	vand.u32 $0x7, v3;
	v4 =	vand.u32 $0xFFFFFFC0, v4  }
0x2a: {  	v3 =	vor.u32 v3, v4  }
0x2b: {  	v4 =	vperm.xlane v3, v0;
	_ =	sdelay $0x1  }
0x2c: {  	v4 =	vadd.s32 v1, v4;
	_ =	sdelay $0x4  }
0x2d: {  	[tilespmem:s9], [sflag:$0x1] =	stream.indirect_vreg.gather [hbm4b:s3+s2], $0x80, v4, vm0, $0xb8;
	[tilespmem:$0x10100] =	vst v63  }
0x2e: {  	s1 =	rddreg [dreg:$0x8];
	v3 =	vperm.xlane v3, v2  }
0x2f: {  	[tilespmem:s1], [sflag:$0x1] =	stream.indirect_vreg.gather [hbm4b:s4+s2], $0x80, v4, vm0, $0xb8;
	[tilespmem:$0x10100] =	vst v63  }
0x30: {  	s10 =	rddreg [dreg:$0x9];
	v3 =	vadd.s32 v1, v3  }
0x31: {  	[tilespmem:s10], [sflag:$0x1] =	stream.indirect_vreg.gather [hbm4b:s5+s2], $0x80, v4, vm0, $0xb8;
	[tilespmem:$0x10100] =	vst v63  }
0x32: {  	s1 =	rddreg [dreg:$0xa]  }
0x33: {  	[tilespmem:s1], [sflag:$0x1] =	stream.indirect_vreg.gather [hbm4b:s6+s2], $0x80, v4, vm0, $0xb8;
	[tilespmem:$0x10100] =	vst v63  }
0x34: {  	s10 =	rddreg [dreg:$0xb]  }
0x35: {  	[tilespmem:s10], [sflag:$0x1] =	stream.indirect_vreg.gather [hbm4b:s3+s2], $0x80, v3, vm0, $0xb8;
	[tilespmem:$0x10100] =	vst v63  }
0x36: {  	s1 =	rddreg [dreg:$0xc]  }
0x37: {  	[tilespmem:s1], [sflag:$0x1] =	stream.indirect_vreg.gather [hbm4b:s4+s2], $0x80, v3, vm0, $0xb8;
	[tilespmem:$0x10100] =	vst v63  }
0x38: {  	s10 =	rddreg [dreg:$0xd]  }
0x39: {  	[tilespmem:s10], [sflag:$0x1] =	stream.indirect_vreg.gather [hbm4b:s5+s2], $0x80, v3, vm0, $0xb8;
	[tilespmem:$0x10100] =	vst v63  }
0x3a: {  	s1 =	rddreg [dreg:$0xe]  }
0x3b: {  	[tilespmem:s1], [sflag:$0x1] =	stream.indirect_vreg.gather [hbm4b:s6+s2], $0x80, v3, vm0, $0xb8;
	[tilespmem:$0x10100] =	vst v63  }
0x3c: {  	v3 =	vld [tilespmem:$0x10];
	_ =	sdelay $0x4  }
0x3d: {  	v61 =	vshll.u32 v3, $0x3  }
0x3e: {  	v3 =	vand.u32 $0x7, v3;
	v4 =	vand.u32 $0xFFFFFFC0, v61  }
0x3f: {  	v3 =	vor.u32 v3, v4  }
0x40: {  	v4 =	vperm.xlane v3, v0;
	_ =	sdelay $0x1  }
0x41: {  	v4 =	vadd.s32 v1, v4;
	_ =	sdelay $0x3  }
0x42: {  	s1 =	rddreg [dreg:$0xf]  }
0x43: {  	[tilespmem:s1], [sflag:$0x1] =	stream.indirect_vreg.gather [hbm4b:s3+s2], $0x80, v4, vm0, $0xb8;
	[tilespmem:$0x10100] =	vst v63  }
0x44: {  	s10 =	rddreg [dreg:$0x10];
	v3 =	vperm.xlane v3, v2  }
0x45: {  	[tilespmem:s10], [sflag:$0x1] =	stream.indirect_vreg.gather [hbm4b:s4+s2], $0x80, v4, vm0, $0xb8;
	[tilespmem:$0x10100] =	vst v63  }
0x46: {  	v3 =	vadd.s32 v1, v3;
	s1 =	rddreg [dreg:$0x11]  }
0x47: {  	[tilespmem:s1], [sflag:$0x1] =	stream.indirect_vreg.gather [hbm4b:s5+s2], $0x80, v4, vm0, $0xb8;
	[tilespmem:$0x10100] =	vst v63  }
0x48: {  	s10 =	rddreg [dreg:$0x12]  }
0x49: {  	[tilespmem:s10], [sflag:$0x1] =	stream.indirect_vreg.gather [hbm4b:s6+s2], $0x80, v4, vm0, $0xb8;
	[tilespmem:$0x10100] =	vst v63  }
0x4a: {  	s1 =	rddreg [dreg:$0x13]  }
0x4b: {  	[tilespmem:s1], [sflag:$0x1] =	stream.indirect_vreg.gather [hbm4b:s3+s2], $0x80, v3, vm0, $0xb8;
	[tilespmem:$0x10100] =	vst v63  }
0x4c: {  	s10 =	rddreg [dreg:$0x14]  }
0x4d: {  	[tilespmem:s10], [sflag:$0x1] =	stream.indirect_vreg.gather [hbm4b:s4+s2], $0x80, v3, vm0, $0xb8;
	[tilespmem:$0x10100] =	vst v63  }
0x4e: {  	s10 =	simm.s32 $0x7100  }
0x4f: {  	[tilespmem:s10], [sflag:$0x1] =	stream.indirect_vreg.gather [hbm4b:s5+s2], $0x80, v3, vm0, $0xb8;
	[tilespmem:$0x10100] =	vst v63  }
0x50: {  	_ = 	snop  }
0x51: {  	[tilespmem:s11], [sflag:$0x1] =	stream.indirect_vreg.gather [hbm4b:s6+s2], $0x80, v3, vm0, $0xb8;
	[tilespmem:$0x10100] =	vst v63  }
0x52: {  	v3 =	vld [tilespmem:$0x80];
	_ =	sdelay $0x4  }
0x53: {  	v62 =	vshll.u32 v3, $0x3  }
0x54: {  	v3 =	vand.u32 $0x7, v3;
	v4 =	vand.u32 $0xFFFFFFC0, v62  }
0x55: {  	v3 =	vor.u32 v3, v4  }
0x56: {  	v4 =	vperm.xlane v3, v0;
	_ =	sdelay $0x1  }
0x57: {  	v4 =	vadd.s32 v1, v4;
	_ =	sdelay $0x4  }
0x58: {  	[tilespmem:s12], [sflag:$0x2] =	stream.indirect_vreg.gather [hbm4b:s3+s2], $0x80, v4, vm0, $0xb8;
	[tilespmem:$0x10100] =	vst v63  }
0x59: {  	v3 =	vperm.xlane v3, v2  }
0x5a: {  	[tilespmem:s13], [sflag:$0x2] =	stream.indirect_vreg.gather [hbm4b:s4+s2], $0x80, v4, vm0, $0xb8;
	[tilespmem:$0x10100] =	vst v63  }
0x5b: {  	v3 =	vadd.s32 v1, v3  }
0x5c: {  	[tilespmem:s14], [sflag:$0x2] =	stream.indirect_vreg.gather [hbm4b:s5+s2], $0x80, v4, vm0, $0xb8;
	[tilespmem:$0x10100] =	vst v63  }
0x5d: {  	_ = 	snop  }
0x5e: {  	[tilespmem:s15], [sflag:$0x2] =	stream.indirect_vreg.gather [hbm4b:s6+s2], $0x80, v4, vm0, $0xb8;
	[tilespmem:$0x10100] =	vst v63  }
0x5f: {  	_ = 	snop  }
0x60: {  	[tilespmem:s16], [sflag:$0x2] =	stream.indirect_vreg.gather [hbm4b:s3+s2], $0x80, v3, vm0, $0xb8;
	[tilespmem:$0x10100] =	vst v63  }
0x61: {  	_ = 	snop  }
0x62: {  	[tilespmem:s17], [sflag:$0x2] =	stream.indirect_vreg.gather [hbm4b:s4+s2], $0x80, v3, vm0, $0xb8;
	[tilespmem:$0x10100] =	vst v63  }
0x63: {  	_ = 	snop  }
0x64: {  	[tilespmem:s18], [sflag:$0x2] =	stream.indirect_vreg.gather [hbm4b:s5+s2], $0x80, v3, vm0, $0xb8;
	[tilespmem:$0x10100] =	vst v63  }
0x65: {  	_ = 	snop  }
0x66: {  	[tilespmem:s19], [sflag:$0x2] =	stream.indirect_vreg.gather [hbm4b:s6+s2], $0x80, v3, vm0, $0xb8;
	[tilespmem:$0x10100] =	vst v63  }
0x67: {  	v3 =	vld [tilespmem:$0x90];
	_ =	sdelay $0x4  }
0x68: {  	v63 =	vshll.u32 v3, $0x3  }
0x69: {  	v3 =	vand.u32 $0x7, v3;
	v4 =	vand.u32 $0xFFFFFFC0, v63  }
0x6a: {  	v3 =	vor.u32 v3, v4  }
0x6b: {  	v4 =	vperm.xlane v3, v0;
	_ =	sdelay $0x1  }
0x6c: {  	v4 =	vadd.s32 v1, v4;
	_ =	sdelay $0x4  }
0x6d: {  	[tilespmem:s20], [sflag:$0x2] =	stream.indirect_vreg.gather [hbm4b:s3+s2], $0x80, v4, vm0, $0xb8;
	[tilespmem:$0x10100] =	vst v63  }
0x6e: {  	v3 =	vperm.xlane v3, v2  }
0x6f: {  	[tilespmem:s21], [sflag:$0x2] =	stream.indirect_vreg.gather [hbm4b:s4+s2], $0x80, v4, vm0, $0xb8;
	[tilespmem:$0x10100] =	vst v63  }
0x70: {  	v3 =	vadd.s32 v1, v3  }
0x71: {  	[tilespmem:s22], [sflag:$0x2] =	stream.indirect_vreg.gather [hbm4b:s5+s2], $0x80, v4, vm0, $0xb8;
	[tilespmem:$0x10100] =	vst v63  }
0x72: {  	_ = 	snop  }
0x73: {  	[tilespmem:s23], [sflag:$0x2] =	stream.indirect_vreg.gather [hbm4b:s6+s2], $0x80, v4, vm0, $0xb8;
	[tilespmem:$0x10100] =	vst v63  }
0x74: {  	_ = 	snop  }
0x75: {  	[tilespmem:s24], [sflag:$0x2] =	stream.indirect_vreg.gather [hbm4b:s3+s2], $0x80, v3, vm0, $0xb8;
	[tilespmem:$0x10100] =	vst v63  }
0x76: {  	_ = 	snop  }
0x77: {  	[tilespmem:s25], [sflag:$0x2] =	stream.indirect_vreg.gather [hbm4b:s4+s2], $0x80, v3, vm0, $0xb8;
	[tilespmem:$0x10100] =	vst v63  }
0x78: {  	_ = 	snop  }
0x79: {  	[tilespmem:s26], [sflag:$0x2] =	stream.indirect_vreg.gather [hbm4b:s5+s2], $0x80, v3, vm0, $0xb8;
	[tilespmem:$0x10100] =	vst v63  }
0x7a: {  	_ = 	snop  }
0x7b: {  	[tilespmem:s28], [sflag:$0x2] =	stream.indirect_vreg.gather [hbm4b:s6+s2], $0x80, v3, vm0, $0xb8;
	[tilespmem:$0x10100] =	vst v63  }
0x7c: {  	_ =	swait.ge [sflag:s29], $0x8000  }
0x7d: {  	[sflag:s29] =	ssyncset.done $0x0  }
0x7e: {  	s10 =	rddreg [dreg:$0x5];
	[sflag:s29] =	ssyncadd.s32 $0xFFFF8000  }
0x7f: {  	[hbm4b:s10+s2] =	stream.linear.scatter [tilespmem:s9], [sflag:$0x3], $0x8000, $0x38;
	[tilespmem:$0x10100] =	vst v63  }
0x80: {  	_ =	swait.ge [sflag:s30], $0x8000  }
0x81: {  	[sflag:s30] =	ssyncset.done $0x0  }
0x82: {  	s10 =	rddreg [dreg:$0x6];
	[sflag:s30] =	ssyncadd.s32 $0xFFFF8000  }
0x83: {  	[hbm4b:s10+s2] =	stream.linear.scatter [tilespmem:s12], [sflag:$0x4], $0x8000, $0x38;
	[tilespmem:$0x10100] =	vst v63  }
0x84: {  	p0 =	sne.s32 s7, $0x1;
	_ =	swait.ge [sflag:s31], $0x8000  }
.Ltmp0:
0x85: {  	[sflag:s31] =	ssyncset.done $0x0;
	(pc) =	sbr.rel @p0 .LBB2_1-.Ltmp0, $4  }
0x86: {  	[sflag:s31] =	ssyncadd.s32 $0xFFFF8000  }
0x87: {  	_ =	swait.ge [sflag:s0], $0x8000  }
0x88: {  	[sflag:s0] =	ssyncset.done $0x0  }
0x89: {  	s7 =	sadd.s32 $0xFFFFFFFF, s7;
	[sflag:s0] =	ssyncadd.s32 $0xFFFF8000  }
0x8a: {  	_ =	sfence.sel $0x180000  }
0x8b: {  	[bflag:$0x0] =	sbarrier.arrive $0xFFFF  }
0x8c: {  	_ =	strace $0x9000004A  }
0x8d: {  	s0 =	stileid.u32;
	[bflag:$0x2] =	sbarrier.arrive $0xFFFF  }
0x8e: {  	p0 =	sne.s32 s0, $0x0;
	s0 =	rddreg [dreg:$0x2]  }
0x8f: {  	s0 =	sadd.s32 @!p0 $0x100000, s0  }
0x90: {  	[sflag:s0] =	ssyncadd.tile.s32 @!p0 $0x1;
	_ =	shalt  }
.Lfunc_end2:
_tile_overlayer_lowered:
.L_overlay_start_2:
0x91: {  	(tag) =	ssettag $0x2  }
0x92: {  	s0 =	rddreg [dreg:$0x0];
	s2 =	stileid.u32  }
0x93: {  	s1 =	rddreg [dreg:$0x1];
	p0 =	sne.s32 s2, $0x0  }
0x94: {  	s3 =	rddreg [dreg:$0x2];
	[bflag:$0x3] =	sbarrier.arrive $0xFFFF;
	s2 =	simm.s32 @!p0 $0x1C05  }
0x95: {  	[timem:s3], [sflag:s2] =	dma.local @!p0 [hbm:s0], s1  }
0x96: {  	s0 =	simm.s32 @!p0 $0x5  }
0x97: {  	_ =	swait.ge @!p0 [sflag:s0], s1  }
0x98: {  	s1 =	ssub.s32 @!p0 $0x0, s1;
	[sflag:s0] =	ssyncset.done @!p0 $0x0  }
0x99: {  	[sflag:s0] =	ssyncadd.s32 @!p0 s1  }
0x9a: {  	[bflag:$0x3] =	sbarrier.arrive $0xFFFF  }
0x9b: {  	_ =	shalt  }

</sc_bundles>
